<compile_context>
chip_gen: v7x
topology: tpu7x:2x2x1
jax: 0.10.2.dev20260603
libtpu: 0.0.44.dev20260713+nightly
codegen_flags: <defaults>
</compile_context>

<pallas_src>
import functools

import jax
import jax.numpy as jnp
from jax import lax
from jax.experimental import pallas as pl
from jax.experimental.pallas import tpu as pltpu
from jax.experimental.pallas import tpu_sc as plsc

N = 10000
E = 320000
FEAT = 128
HID = 128
NCLASS = 16
NGRAPH = 64

NC, NS = 2, 16
NW = NC * NS
CHUNK = 128
CH = 79
EPT = CH * CHUNK
EPAD = NW * EPT
NACC = NS * 640
ZROWS = 80
DEGW = NS * 640
ROWS_OUT = 624
TAIL = N - NS * ROWS_OUT


def _deg_body(dst_hbm, out_hbm, dstbuf, ones_v, zeros_v, acc):
    c = lax.axis_index("c")
    s = lax.axis_index("s")
    wid = c * NS + s

    def fill_ones(i, carry):
        ones_v[pl.ds(i * 16, 16)] = jnp.full((16,), 1.0, jnp.float32)
        return carry

    lax.fori_loop(0, CHUNK // 16, fill_ones, 0)

    def fill_zeros(i, carry):
        zeros_v[pl.ds(i * 16, 16)] = jnp.zeros((16,), jnp.float32)
        return carry

    lax.fori_loop(0, 640 // 16, fill_zeros, 0)
    pltpu.sync_copy(zeros_v, acc.at[pl.ds(s * 640, 640)])
    pltpu.sync_copy(dst_hbm.at[wid], dstbuf)
    plsc.subcore_barrier()

    def chunk_body(j, carry):
        pltpu.sync_copy(ones_v, acc.at[dstbuf.at[j]], add=True)
        return carry

    lax.fori_loop(0, CH, chunk_body, 0)
    plsc.subcore_barrier()
    pltpu.sync_copy(acc.at[pl.ds(s * 640, 640)],
                    out_hbm.at[c, pl.ds(s * 640, 640)])


def _edge_body(src_hbm, dst_hbm, tab_hbm, out_hbm,
               srcbuf, dstbuf, rowbuf, zbuf, acc, sem):
    c = lax.axis_index("c")
    s = lax.axis_index("s")
    wid = c * NS + s

    def zero_row(r, carry):
        for k in range(FEAT // 16):
            zbuf[r, pl.ds(k * 16, 16)] = jnp.zeros((16,), jnp.float32)
        return carry

    lax.fori_loop(0, ZROWS, zero_row, 0)

    def zero_slice(k, carry):
        pltpu.sync_copy(zbuf, acc.at[pl.ds(s * 640 + k * ZROWS, ZROWS)])
        return carry

    lax.fori_loop(0, 640 // ZROWS, zero_slice, 0)
    pltpu.sync_copy(src_hbm.at[wid], srcbuf)
    pltpu.sync_copy(dst_hbm.at[wid], dstbuf)
    plsc.subcore_barrier()

    def chunk_body(j, carry):
        pltpu.async_copy(tab_hbm.at[srcbuf.at[j]], rowbuf, sem).wait()
        pltpu.sync_copy(rowbuf, acc.at[dstbuf.at[j]], add=True)
        return carry

    lax.fori_loop(0, CH, chunk_body, 0)
    plsc.subcore_barrier()
    pltpu.sync_copy(acc.at[pl.ds(s * ROWS_OUT, ROWS_OUT)],
                    out_hbm.at[c, pl.ds(s * ROWS_OUT, ROWS_OUT)])

    @pl.when(s == NS - 1)
    def _tail():
        pltpu.sync_copy(acc.at[pl.ds(NS * ROWS_OUT, TAIL)],
                        out_hbm.at[c, pl.ds(NS * ROWS_OUT, TAIL)])


@functools.cache
def _sc_kernels():
    mesh = plsc.VectorSubcoreMesh(
        core_axis_name="c", subcore_axis_name="s",
        num_cores=NC, num_subcores=NS)
    deg = pl.kernel(
        _deg_body,
        out_type=jax.ShapeDtypeStruct((NC, DEGW), jnp.float32),
        mesh=mesh,
        scratch_types=[
            pltpu.VMEM((CH, CHUNK), jnp.int32),
            pltpu.VMEM((CHUNK,), jnp.float32),
            pltpu.VMEM((640,), jnp.float32),
            pltpu.VMEM_SHARED((DEGW,), jnp.float32),
        ],
    )
    edge = pl.kernel(
        _edge_body,
        out_type=jax.ShapeDtypeStruct((NC, N, FEAT), jnp.float32),
        mesh=mesh,
        scratch_types=[
            pltpu.VMEM((CH, CHUNK), jnp.int32),
            pltpu.VMEM((CH, CHUNK), jnp.int32),
            pltpu.VMEM((CHUNK, FEAT), jnp.float32),
            pltpu.VMEM((ZROWS, FEAT), jnp.float32),
            pltpu.VMEM_SHARED((NACC, FEAT), jnp.float32),
            pltpu.SemaphoreType.DMA,
        ],
    )
    return deg, edge


def _prep_body(degp_ref, dinv_ref):
    deg = degp_ref[0:1, :] + degp_ref[1:2, :] + 1.0
    dinv_ref[...] = lax.rsqrt(deg)


_prep = pl.pallas_call(
    _prep_body,
    out_shape=jax.ShapeDtypeStruct((1, DEGW), jnp.float32),
)

R = 1000
GRID = N // R


def _tc1_body(x_ref, dinv_ref, g0_ref, b0_ref, w1t_ref, b1_ref, out_ref):
    h = x_ref[...]
    m = jnp.mean(h, axis=1, keepdims=True)
    hc = h - m
    v = jnp.mean(hc * hc, axis=1, keepdims=True)
    hn = hc * lax.rsqrt(v + 1e-5) * g0_ref[...] + b0_ref[...]
    hw = jnp.dot(hn, w1t_ref[...], preferred_element_type=jnp.float32)
    out_ref[...] = (hw + b1_ref[...]) * dinv_ref[...]


_tc1 = pl.pallas_call(
    _tc1_body,
    grid=(GRID,),
    in_specs=[
        pl.BlockSpec((R, FEAT), lambda i: (i, 0)),
        pl.BlockSpec((R, 1), lambda i: (i, 0)),
        pl.BlockSpec((1, FEAT), lambda i: (0, 0)),
        pl.BlockSpec((1, FEAT), lambda i: (0, 0)),
        pl.BlockSpec((FEAT, HID), lambda i: (0, 0)),
        pl.BlockSpec((1, HID), lambda i: (0, 0)),
    ],
    out_specs=pl.BlockSpec((R, HID), lambda i: (i, 0)),
    out_shape=jax.ShapeDtypeStruct((N, HID), jnp.float32),
)


def _tc2_body(p_ref, g_ref, dinv_ref, lng_ref, lnb_ref, w2t_ref, b2_ref,
              out_ref):
    dinv = dinv_ref[...]
    h = (p_ref[0] + p_ref[1] + g_ref[...]) * dinv
    m = jnp.mean(h, axis=1, keepdims=True)
    hc = h - m
    v = jnp.mean(hc * hc, axis=1, keepdims=True)
    hn = hc * lax.rsqrt(v + 1e-5) * lng_ref[...] + lnb_ref[...]
    hr = jnp.maximum(hn, 0.0)
    hw = jnp.dot(hr, w2t_ref[...], preferred_element_type=jnp.float32)
    out_ref[...] = (hw + b2_ref[...]) * dinv


_tc2 = pl.pallas_call(
    _tc2_body,
    grid=(GRID,),
    in_specs=[
        pl.BlockSpec((NC, R, HID), lambda i: (0, i, 0)),
        pl.BlockSpec((R, HID), lambda i: (i, 0)),
        pl.BlockSpec((R, 1), lambda i: (i, 0)),
        pl.BlockSpec((1, HID), lambda i: (0, 0)),
        pl.BlockSpec((1, HID), lambda i: (0, 0)),
        pl.BlockSpec((HID, HID), lambda i: (0, 0)),
        pl.BlockSpec((1, HID), lambda i: (0, 0)),
    ],
    out_specs=pl.BlockSpec((R, HID), lambda i: (i, 0)),
    out_shape=jax.ShapeDtypeStruct((N, HID), jnp.float32),
)


def _tc3_body(p_ref, g_ref, dinv_ref, lng_ref, lnb_ref, batch_ref, wct_ref,
              bc_ref, out_ref, acc_ref):
    i = pl.program_id(0)

    @pl.when(i == 0)
    def _init():
        acc_ref[...] = jnp.zeros_like(acc_ref)

    h = (p_ref[0] + p_ref[1] + g_ref[...]) * dinv_ref[...]
    m = jnp.mean(h, axis=1, keepdims=True)
    hc = h - m
    v = jnp.mean(hc * hc, axis=1, keepdims=True)
    hn = hc * lax.rsqrt(v + 1e-5) * lng_ref[...] + lnb_ref[...]
    hr = jnp.maximum(hn, 0.0)
    onehot = (batch_ref[...] ==
              lax.broadcasted_iota(jnp.int32, (R, NGRAPH), 1))
    acc_ref[...] += lax.dot_general(
        onehot.astype(jnp.float32), hr, (((0,), (0,)), ((), ())),
        preferred_element_type=jnp.float32)

    @pl.when(i == GRID - 1)
    def _finish():
        logits = jnp.dot(acc_ref[...], wct_ref[...],
                         preferred_element_type=jnp.float32) + bc_ref[...]
        mx = jnp.max(logits, axis=1, keepdims=True)
        ex = jnp.exp(logits - mx)
        lse = jnp.log(jnp.sum(ex, axis=1, keepdims=True))
        out_ref[...] = logits - mx - lse


_tc3 = pl.pallas_call(
    _tc3_body,
    grid=(GRID,),
    in_specs=[
        pl.BlockSpec((NC, R, HID), lambda i: (0, i, 0)),
        pl.BlockSpec((R, HID), lambda i: (i, 0)),
        pl.BlockSpec((R, 1), lambda i: (i, 0)),
        pl.BlockSpec((1, HID), lambda i: (0, 0)),
        pl.BlockSpec((1, HID), lambda i: (0, 0)),
        pl.BlockSpec((R, 1), lambda i: (i, 0)),
        pl.BlockSpec((HID, NCLASS), lambda i: (0, 0)),
        pl.BlockSpec((1, NCLASS), lambda i: (0, 0)),
    ],
    out_specs=pl.BlockSpec((NGRAPH, NCLASS), lambda i: (0, 0)),
    out_shape=jax.ShapeDtypeStruct((NGRAPH, NCLASS), jnp.float32),
    scratch_shapes=[pltpu.VMEM((NGRAPH, HID), jnp.float32)],
)


def kernel(x, edge_index, batch, ln0_g, ln0_b, W1, b1, ln1_g, ln1_b,
           W2, b2, ln2_g, ln2_b, Wc, bc):
    pad = EPAD - E
    srcp = jnp.concatenate(
        [edge_index[0], jnp.zeros((pad,), jnp.int32)]).reshape(NW, CH, CHUNK)
    dstp = jnp.concatenate(
        [edge_index[1], jnp.full((pad,), N, jnp.int32)]).reshape(NW, CH, CHUNK)

    deg_kernel, edge_kernel = _sc_kernels()
    degp = deg_kernel(dstp)
    dinv = _prep(degp).reshape(DEGW)[:N].reshape(N, 1)

    g1 = _tc1(x, dinv, ln0_g.reshape(1, FEAT), ln0_b.reshape(1, FEAT),
              W1.T, b1.reshape(1, HID))
    p1 = edge_kernel(srcp, dstp, g1)
    g2 = _tc2(p1, g1, dinv, ln1_g.reshape(1, HID), ln1_b.reshape(1, HID),
              W2.T, b2.reshape(1, HID))
    p2 = edge_kernel(srcp, dstp, g2)
    return _tc3(p2, g2, dinv, ln2_g.reshape(1, HID), ln2_b.reshape(1, HID),
                batch.reshape(N, 1), Wc.T, bc.reshape(1, NCLASS))

# --- scband reference (transcript-rebuilt; emitter-appended) ---
"""Pipeline reference for scband-graph-gcn-57870389346569 (READ-ONLY COPY).

The authoritative reference and input builder live on the scoring server;
editing this copy changes nothing except your own understanding.
"""

import jax, jax.numpy as jnp
import numpy as np

N = 10000
E = 320000
FEAT = 128
HID = 128
NCLASS = 16
NGRAPH = 64


def setup_inputs(seed: int = 0) -> dict:
    key = jax.random.key(seed)
    ks = jax.random.split(key, 10)
    x = jax.random.normal(ks[0], (N, FEAT), dtype=jnp.float32)
    edge_index = jax.random.randint(ks[1], (2, E), 0, N, dtype=jnp.int32)
    batch = jnp.sort(jax.random.randint(ks[2], (N,), 0, NGRAPH, dtype=jnp.int32))
    # GCNConv lin weights (kaiming normal, fan_in) + zero bias
    W1 = jax.random.normal(ks[3], (HID, FEAT), dtype=jnp.float32) * np.sqrt(2.0 / FEAT)
    b1 = jnp.zeros((HID,), dtype=jnp.float32)
    W2 = jax.random.normal(ks[4], (HID, HID), dtype=jnp.float32) * np.sqrt(2.0 / HID)
    b2 = jnp.zeros((HID,), dtype=jnp.float32)
    # graph classifier (kaiming normal)
    Wc = jax.random.normal(ks[5], (NCLASS, HID), dtype=jnp.float32) * np.sqrt(2.0 / HID)
    bc = jnp.zeros((NCLASS,), dtype=jnp.float32)
    # LayerNorm params (default init)
    ln0_g = jnp.ones((FEAT,), dtype=jnp.float32)
    ln0_b = jnp.zeros((FEAT,), dtype=jnp.float32)
    ln1_g = jnp.ones((HID,), dtype=jnp.float32)
    ln1_b = jnp.zeros((HID,), dtype=jnp.float32)
    ln2_g = jnp.ones((HID,), dtype=jnp.float32)
    ln2_b = jnp.zeros((HID,), dtype=jnp.float32)
    return {
        "x": x, "edge_index": edge_index, "batch": batch,
        "ln0_g": ln0_g, "ln0_b": ln0_b,
        "W1": W1, "b1": b1, "ln1_g": ln1_g, "ln1_b": ln1_b,
        "W2": W2, "b2": b2, "ln2_g": ln2_g, "ln2_b": ln2_b,
        "Wc": Wc, "bc": bc,
    }


def _layer_norm(h, g, b, eps=1e-5):
    m = jnp.mean(h, axis=-1, keepdims=True)
    v = jnp.var(h, axis=-1, keepdims=True)
    return (h - m) / jnp.sqrt(v + eps) * g + b


def _gcn_conv(h, edge_index, W, b):
    # torch_geometric GCNConv with add_self_loops=True, symmetric normalization
    n = h.shape[0]
    loop = jnp.arange(n, dtype=edge_index.dtype)
    src = jnp.concatenate([edge_index[0], loop])
    dst = jnp.concatenate([edge_index[1], loop])
    deg = jnp.zeros((n,), dtype=h.dtype).at[dst].add(1.0)
    dinv = jnp.where(deg > 0, jax.lax.rsqrt(deg), 0.0)
    norm = dinv[src] * dinv[dst]
    hw = h @ W.T + b
    msg = hw[src] * norm[:, None]
    out = jnp.zeros((n, hw.shape[1]), dtype=hw.dtype).at[dst].add(msg)
    return out


def reference(x, edge_index, batch, ln0_g, ln0_b, W1, b1, ln1_g, ln1_b, W2, b2, ln2_g, ln2_b, Wc, bc):
    # layer_norm_first=True, use_ln=True, eval mode (dropout is identity)
    h = _layer_norm(x, ln0_g, ln0_b)
    h = _gcn_conv(h, edge_index, W1, b1)
    h = _layer_norm(h, ln1_g, ln1_b)
    h = jax.nn.relu(h)
    h = _gcn_conv(h, edge_index, W2, b2)
    h = _layer_norm(h, ln2_g, ln2_b)
    h = jax.nn.relu(h)
    pooled = jax.ops.segment_sum(h, batch, num_segments=NGRAPH)  # global_add_pool
    logits = pooled @ Wc.T + bc
    return jax.nn.log_softmax(logits, axis=1)

if __name__ == "__main__":
    import jax
    _d = setup_inputs()
    print(jax.jit(kernel)(*tuple(_d.values())))

</pallas_src>

<mosaic_0001>
#map = affine_map<(d0, d1) -> (0, 0, 0)>
#map1 = affine_map<(d0, d1) -> (0, 0)>
module attributes {stable_mosaic.version = 14 : i64} {
  func.func @_edge_body(%arg0: i32, %arg1: i32, %arg2: memref<32x79x128xi32, #tpu.memory_space<hbm>>, %arg3: memref<32x79x128xi32, #tpu.memory_space<hbm>>, %arg4: memref<10000x128xf32, #tpu.memory_space<hbm>>, %arg5: memref<2x10000x128xf32, #tpu.memory_space<hbm>>, %arg6: memref<79x128xi32, #tpu.memory_space<vmem>>, %arg7: memref<79x128xi32, #tpu.memory_space<vmem>>, %arg8: memref<128x128xf32, #tpu.memory_space<vmem>>, %arg9: memref<80x128xf32, #tpu.memory_space<vmem>>, %arg10: memref<10240x128xf32, #tpu.memory_space<vmem_shared>>, %arg11: memref<!tpu.dma_semaphore, #tpu.memory_space<semaphore_mem>>) attributes {dimension_semantics = [#tpu.dimension_semantics<core_parallel>, #tpu.dimension_semantics<subcore_parallel>], iteration_bounds = array<i64: 2, 16>, scalar_prefetch = 0 : i64, scratch_operands = 6 : i64, tpu.core_type = #tpu.core_type<sc_vector_subcore>, window_params = [{transform_indices = #map}, {transform_indices = #map}, {transform_indices = #map1}, {transform_indices = #map}]} {
    %mul3A = arith.constant 16 : i32
    %mul3A_0 = arith.muli %arg0, %mul3A : i32
    %add3A = arith.addi %mul3A_0, %arg1 : i32
    %scan3A = arith.constant 0 : i32
    %scan3A_1 = arith.constant 0 : i32
    %scan3A_2 = arith.constant 80 : i32
    %scan3A_3 = arith.addi %scan3A_1, %scan3A_2 : i32
    %scan3A_4 = arith.constant 1 : i32
    scf.for %scan3A_25 = %scan3A_1 to %scan3A_3 step %scan3A_4  : i32 {
      %broadcast_in_dim3A = arith.constant 0.000000e+00 : f32
      %broadcast_in_dim3A_26 = vector.broadcast %broadcast_in_dim3A : f32 to vector<16xf32>
      %swap3A = arith.index_cast %scan3A_25 : i32 to index
      %swap3A_27 = arith.constant 0 : index
      %swap3A_28 = tpu.vector_load %arg9[%swap3A, %swap3A_27] {strides = array<i32>} : memref<80x128xf32, #tpu.memory_space<vmem>>, vector<1x16xf32>,
      %swap3A_29 = vector.shape_cast %swap3A_28 : vector<1x16xf32> to vector<16xf32>
      %swap3A_30 = vector.shape_cast %broadcast_in_dim3A_26 : vector<16xf32> to vector<1x16xf32>
      tpu.vector_store %arg9[%swap3A, %swap3A_27], %swap3A_30 {strides = array<i32>} : memref<80x128xf32, #tpu.memory_space<vmem>>, vector<1x16xf32>,
      %broadcast_in_dim3A_31 = arith.constant 0.000000e+00 : f32
      %broadcast_in_dim3A_32 = vector.broadcast %broadcast_in_dim3A_31 : f32 to vector<16xf32>
      %swap3A_33 = arith.index_cast %scan3A_25 : i32 to index
      %swap3A_34 = arith.constant 16 : index
      %swap3A_35 = tpu.vector_load %arg9[%swap3A_33, %swap3A_34] {strides = array<i32>} : memref<80x128xf32, #tpu.memory_space<vmem>>, vector<1x16xf32>,
      %swap3A_36 = vector.shape_cast %swap3A_35 : vector<1x16xf32> to vector<16xf32>
      %swap3A_37 = vector.shape_cast %broadcast_in_dim3A_32 : vector<16xf32> to vector<1x16xf32>
      tpu.vector_store %arg9[%swap3A_33, %swap3A_34], %swap3A_37 {strides = array<i32>} : memref<80x128xf32, #tpu.memory_space<vmem>>, vector<1x16xf32>,
      %broadcast_in_dim3A_38 = arith.constant 0.000000e+00 : f32
      %broadcast_in_dim3A_39 = vector.broadcast %broadcast_in_dim3A_38 : f32 to vector<16xf32>
      %swap3A_40 = arith.index_cast %scan3A_25 : i32 to index
      %swap3A_41 = arith.constant 32 : index
      %swap3A_42 = tpu.vector_load %arg9[%swap3A_40, %swap3A_41] {strides = array<i32>} : memref<80x128xf32, #tpu.memory_space<vmem>>, vector<1x16xf32>,
      %swap3A_43 = vector.shape_cast %swap3A_42 : vector<1x16xf32> to vector<16xf32>
      %swap3A_44 = vector.shape_cast %broadcast_in_dim3A_39 : vector<16xf32> to vector<1x16xf32>
      tpu.vector_store %arg9[%swap3A_40, %swap3A_41], %swap3A_44 {strides = array<i32>} : memref<80x128xf32, #tpu.memory_space<vmem>>, vector<1x16xf32>,
      %broadcast_in_dim3A_45 = arith.constant 0.000000e+00 : f32
      %broadcast_in_dim3A_46 = vector.broadcast %broadcast_in_dim3A_45 : f32 to vector<16xf32>
      %swap3A_47 = arith.index_cast %scan3A_25 : i32 to index
      %swap3A_48 = arith.constant 48 : index
      %swap3A_49 = tpu.vector_load %arg9[%swap3A_47, %swap3A_48] {strides = array<i32>} : memref<80x128xf32, #tpu.memory_space<vmem>>, vector<1x16xf32>,
      %swap3A_50 = vector.shape_cast %swap3A_49 : vector<1x16xf32> to vector<16xf32>
      %swap3A_51 = vector.shape_cast %broadcast_in_dim3A_46 : vector<16xf32> to vector<1x16xf32>
      tpu.vector_store %arg9[%swap3A_47, %swap3A_48], %swap3A_51 {strides = array<i32>} : memref<80x128xf32, #tpu.memory_space<vmem>>, vector<1x16xf32>,
      %broadcast_in_dim3A_52 = arith.constant 0.000000e+00 : f32
      %broadcast_in_dim3A_53 = vector.broadcast %broadcast_in_dim3A_52 : f32 to vector<16xf32>
      %swap3A_54 = arith.index_cast %scan3A_25 : i32 to index
      %swap3A_55 = arith.constant 64 : index
      %swap3A_56 = tpu.vector_load %arg9[%swap3A_54, %swap3A_55] {strides = array<i32>} : memref<80x128xf32, #tpu.memory_space<vmem>>, vector<1x16xf32>,
      %swap3A_57 = vector.shape_cast %swap3A_56 : vector<1x16xf32> to vector<16xf32>
      %swap3A_58 = vector.shape_cast %broadcast_in_dim3A_53 : vector<16xf32> to vector<1x16xf32>
      tpu.vector_store %arg9[%swap3A_54, %swap3A_55], %swap3A_58 {strides = array<i32>} : memref<80x128xf32, #tpu.memory_space<vmem>>, vector<1x16xf32>,
      %broadcast_in_dim3A_59 = arith.constant 0.000000e+00 : f32
      %broadcast_in_dim3A_60 = vector.broadcast %broadcast_in_dim3A_59 : f32 to vector<16xf32>
      %swap3A_61 = arith.index_cast %scan3A_25 : i32 to index
      %swap3A_62 = arith.constant 80 : index
      %swap3A_63 = tpu.vector_load %arg9[%swap3A_61, %swap3A_62] {strides = array<i32>} : memref<80x128xf32, #tpu.memory_space<vmem>>, vector<1x16xf32>,
      %swap3A_64 = vector.shape_cast %swap3A_63 : vector<1x16xf32> to vector<16xf32>
      %swap3A_65 = vector.shape_cast %broadcast_in_dim3A_60 : vector<16xf32> to vector<1x16xf32>
      tpu.vector_store %arg9[%swap3A_61, %swap3A_62], %swap3A_65 {strides = array<i32>} : memref<80x128xf32, #tpu.memory_space<vmem>>, vector<1x16xf32>,
      %broadcast_in_dim3A_66 = arith.constant 0.000000e+00 : f32
      %broadcast_in_dim3A_67 = vector.broadcast %broadcast_in_dim3A_66 : f32 to vector<16xf32>
      %swap3A_68 = arith.index_cast %scan3A_25 : i32 to index
      %swap3A_69 = arith.constant 96 : index
      %swap3A_70 = tpu.vector_load %arg9[%swap3A_68, %swap3A_69] {strides = array<i32>} : memref<80x128xf32, #tpu.memory_space<vmem>>, vector<1x16xf32>,
      %swap3A_71 = vector.shape_cast %swap3A_70 : vector<1x16xf32> to vector<16xf32>
      %swap3A_72 = vector.shape_cast %broadcast_in_dim3A_67 : vector<16xf32> to vector<1x16xf32>
      tpu.vector_store %arg9[%swap3A_68, %swap3A_69], %swap3A_72 {strides = array<i32>} : memref<80x128xf32, #tpu.memory_space<vmem>>, vector<1x16xf32>,
      %broadcast_in_dim3A_73 = arith.constant 0.000000e+00 : f32
      %broadcast_in_dim3A_74 = vector.broadcast %broadcast_in_dim3A_73 : f32 to vector<16xf32>
      %swap3A_75 = arith.index_cast %scan3A_25 : i32 to index
      %swap3A_76 = arith.constant 112 : index
      %swap3A_77 = tpu.vector_load %arg9[%swap3A_75, %swap3A_76] {strides = array<i32>} : memref<80x128xf32, #tpu.memory_space<vmem>>, vector<1x16xf32>,
      %swap3A_78 = vector.shape_cast %swap3A_77 : vector<1x16xf32> to vector<16xf32>
      %swap3A_79 = vector.shape_cast %broadcast_in_dim3A_74 : vector<16xf32> to vector<1x16xf32>
      tpu.vector_store %arg9[%swap3A_75, %swap3A_76], %swap3A_79 {strides = array<i32>} : memref<80x128xf32, #tpu.memory_space<vmem>>, vector<1x16xf32>,
    }
    %scan3A_5 = arith.constant 80 : i32
    %scan3A_6 = arith.constant 0 : i32
    %scan3A_7 = arith.constant 0 : i32
    %scan3A_8 = arith.constant 8 : i32
    %scan3A_9 = arith.addi %scan3A_7, %scan3A_8 : i32
    %scan3A_10 = arith.constant 1 : i32
    scf.for %scan3A_25 = %scan3A_7 to %scan3A_9 step %scan3A_10  : i32 {
      %mul3A_26 = arith.constant 640 : i32
      %mul3A_27 = arith.muli %arg1, %mul3A_26 : i32
      %mul3A_28 = arith.constant 80 : i32
      %mul3A_29 = arith.muli %scan3A_25, %mul3A_28 : i32
      %add3A_30 = arith.addi %mul3A_27, %mul3A_29 : i32
      "tpu.region"() ({
        %run_scoped3A = tpu.sem_alloc : memref<!tpu.dma_semaphore, #tpu.memory_space<semaphore_mem>>
        %dma_start3A = arith.constant 0 : i32
        %dma_start3A_31 = tpu.memref_slice %arg10[%add3A_30, %dma_start3A] : memref<10240x128xf32, #tpu.memory_space<vmem_shared>> -> memref<80x128xf32, #tpu.memory_space<vmem_shared>>
        %dma_start3A_32 = arith.constant 0 : i32
        %dma_start3A_33 = tpu.memref_slice %arg10[%add3A_30, %dma_start3A_32] : memref<10240x128xf32, #tpu.memory_space<vmem_shared>> -> memref<80x128xf32, #tpu.memory_space<vmem_shared>>
        tpu.enqueue_dma source(%arg9 : memref<80x128xf32, #tpu.memory_space<vmem>>) target(%dma_start3A_33 : memref<80x128xf32, #tpu.memory_space<vmem_shared>>) target_semaphore(%run_scoped3A : memref<!tpu.dma_semaphore, #tpu.memory_space<semaphore_mem>>)
        %dma_wait3A = arith.constant 0 : i32
        %dma_wait3A_34 = tpu.memref_slice %arg10[%add3A_30, %dma_wait3A] : memref<10240x128xf32, #tpu.memory_space<vmem_shared>> -> memref<80x128xf32, #tpu.memory_space<vmem_shared>>
        %dma_wait3A_35 = arith.constant 0 : i32
        %dma_wait3A_36 = tpu.memref_slice %arg10[%add3A_30, %dma_wait3A_35] : memref<10240x128xf32, #tpu.memory_space<vmem_shared>> -> memref<80x128xf32, #tpu.memory_space<vmem_shared>>
        tpu.wait_dma2 semaphore(%run_scoped3A : memref<!tpu.dma_semaphore, #tpu.memory_space<semaphore_mem>>) src(%arg9 : memref<80x128xf32, #tpu.memory_space<vmem>>) dst(%dma_wait3A_36 : memref<80x128xf32, #tpu.memory_space<vmem_shared>>)
        tpu.yield
      }) : () -> ()
    }
    %scan3A_11 = arith.constant 8 : i32
    "tpu.region"() ({
      %run_scoped3A = tpu.sem_alloc : memref<!tpu.dma_semaphore, #tpu.memory_space<semaphore_mem>>
      %dma_start3A = arith.constant 0 : i32
      %dma_start3A_25 = arith.constant 0 : i32
      %dma_start3A_26 = tpu.memref_slice %arg2[%add3A, %dma_start3A, %dma_start3A_25] : memref<32x79x128xi32, #tpu.memory_space<hbm>> -> memref<1x79x128xi32, #tpu.memory_space<hbm>>
      %dma_start3A_27 = tpu.memref_squeeze %dma_start3A_26 : memref<1x79x128xi32, #tpu.memory_space<hbm>> -> memref<79x128xi32, #tpu.memory_space<hbm>>
      %dma_start3A_28 = arith.constant 0 : i32
      %dma_start3A_29 = arith.constant 0 : i32
      %dma_start3A_30 = tpu.memref_slice %arg2[%add3A, %dma_start3A_28, %dma_start3A_29] : memref<32x79x128xi32, #tpu.memory_space<hbm>> -> memref<1x79x128xi32, #tpu.memory_space<hbm>>
      %dma_start3A_31 = tpu.memref_squeeze %dma_start3A_30 : memref<1x79x128xi32, #tpu.memory_space<hbm>> -> memref<79x128xi32, #tpu.memory_space<hbm>>
      tpu.enqueue_dma source(%dma_start3A_31 : memref<79x128xi32, #tpu.memory_space<hbm>>) target(%arg6 : memref<79x128xi32, #tpu.memory_space<vmem>>) target_semaphore(%run_scoped3A : memref<!tpu.dma_semaphore, #tpu.memory_space<semaphore_mem>>)
      %dma_wait3A = arith.constant 0 : i32
      %dma_wait3A_32 = arith.constant 0 : i32
      %dma_wait3A_33 = tpu.memref_slice %arg2[%add3A, %dma_wait3A, %dma_wait3A_32] : memref<32x79x128xi32, #tpu.memory_space<hbm>> -> memref<1x79x128xi32, #tpu.memory_space<hbm>>
      %dma_wait3A_34 = tpu.memref_squeeze %dma_wait3A_33 : memref<1x79x128xi32, #tpu.memory_space<hbm>> -> memref<79x128xi32, #tpu.memory_space<hbm>>
      %dma_wait3A_35 = arith.constant 0 : i32
      %dma_wait3A_36 = arith.constant 0 : i32
      %dma_wait3A_37 = tpu.memref_slice %arg2[%add3A, %dma_wait3A_35, %dma_wait3A_36] : memref<32x79x128xi32, #tpu.memory_space<hbm>> -> memref<1x79x128xi32, #tpu.memory_space<hbm>>
      %dma_wait3A_38 = tpu.memref_squeeze %dma_wait3A_37 : memref<1x79x128xi32, #tpu.memory_space<hbm>> -> memref<79x128xi32, #tpu.memory_space<hbm>>
      tpu.wait_dma2 semaphore(%run_scoped3A : memref<!tpu.dma_semaphore, #tpu.memory_space<semaphore_mem>>) src(%dma_wait3A_38 : memref<79x128xi32, #tpu.memory_space<hbm>>) dst(%arg6 : memref<79x128xi32, #tpu.memory_space<vmem>>)
      tpu.yield
    }) : () -> ()
    "tpu.region"() ({
      %run_scoped3A = tpu.sem_alloc : memref<!tpu.dma_semaphore, #tpu.memory_space<semaphore_mem>>
      %dma_start3A = arith.constant 0 : i32
      %dma_start3A_25 = arith.constant 0 : i32
      %dma_start3A_26 = tpu.memref_slice %arg3[%add3A, %dma_start3A, %dma_start3A_25] : memref<32x79x128xi32, #tpu.memory_space<hbm>> -> memref<1x79x128xi32, #tpu.memory_space<hbm>>
      %dma_start3A_27 = tpu.memref_squeeze %dma_start3A_26 : memref<1x79x128xi32, #tpu.memory_space<hbm>> -> memref<79x128xi32, #tpu.memory_space<hbm>>
      %dma_start3A_28 = arith.constant 0 : i32
      %dma_start3A_29 = arith.constant 0 : i32
      %dma_start3A_30 = tpu.memref_slice %arg3[%add3A, %dma_start3A_28, %dma_start3A_29] : memref<32x79x128xi32, #tpu.memory_space<hbm>> -> memref<1x79x128xi32, #tpu.memory_space<hbm>>
      %dma_start3A_31 = tpu.memref_squeeze %dma_start3A_30 : memref<1x79x128xi32, #tpu.memory_space<hbm>> -> memref<79x128xi32, #tpu.memory_space<hbm>>
      tpu.enqueue_dma source(%dma_start3A_31 : memref<79x128xi32, #tpu.memory_space<hbm>>) target(%arg7 : memref<79x128xi32, #tpu.memory_space<vmem>>) target_semaphore(%run_scoped3A : memref<!tpu.dma_semaphore, #tpu.memory_space<semaphore_mem>>)
      %dma_wait3A = arith.constant 0 : i32
      %dma_wait3A_32 = arith.constant 0 : i32
      %dma_wait3A_33 = tpu.memref_slice %arg3[%add3A, %dma_wait3A, %dma_wait3A_32] : memref<32x79x128xi32, #tpu.memory_space<hbm>> -> memref<1x79x128xi32, #tpu.memory_space<hbm>>
      %dma_wait3A_34 = tpu.memref_squeeze %dma_wait3A_33 : memref<1x79x128xi32, #tpu.memory_space<hbm>> -> memref<79x128xi32, #tpu.memory_space<hbm>>
      %dma_wait3A_35 = arith.constant 0 : i32
      %dma_wait3A_36 = arith.constant 0 : i32
      %dma_wait3A_37 = tpu.memref_slice %arg3[%add3A, %dma_wait3A_35, %dma_wait3A_36] : memref<32x79x128xi32, #tpu.memory_space<hbm>> -> memref<1x79x128xi32, #tpu.memory_space<hbm>>
      %dma_wait3A_38 = tpu.memref_squeeze %dma_wait3A_37 : memref<1x79x128xi32, #tpu.memory_space<hbm>> -> memref<79x128xi32, #tpu.memory_space<hbm>>
      tpu.wait_dma2 semaphore(%run_scoped3A : memref<!tpu.dma_semaphore, #tpu.memory_space<semaphore_mem>>) src(%dma_wait3A_38 : memref<79x128xi32, #tpu.memory_space<hbm>>) dst(%arg7 : memref<79x128xi32, #tpu.memory_space<vmem>>)
      tpu.yield
    }) : () -> ()
    %barrier3A = arith.constant 0 : index
    tpu.barrier barrier_id(%barrier3A)
    %scan3A_12 = arith.constant 0 : i32
    %scan3A_13 = arith.constant 0 : i32
    %scan3A_14 = arith.constant 79 : i32
    %scan3A_15 = arith.addi %scan3A_13, %scan3A_14 : i32
    %scan3A_16 = arith.constant 1 : i32
    scf.for %scan3A_25 = %scan3A_13 to %scan3A_15 step %scan3A_16  : i32 {
      %dma_start3A = arith.constant 0 : i32
      %dma_start3A_26 = tpu.memref_slice %arg6[%scan3A_25, %dma_start3A] : memref<79x128xi32, #tpu.memory_space<vmem>> -> memref<1x128xi32, #tpu.memory_space<vmem>>
      %dma_start3A_27 = tpu.memref_squeeze %dma_start3A_26 : memref<1x128xi32, #tpu.memory_space<vmem>> -> memref<128xi32, #tpu.memory_space<vmem>>
      %dma_start3A_28 = arith.constant 0 : i32
      %dma_start3A_29 = arith.constant 0 : i32
      %dma_start3A_30 = tpu.memref_slice %arg4[%dma_start3A_28, %dma_start3A_29] : memref<10000x128xf32, #tpu.memory_space<hbm>> -> memref<10000x128xf32, #tpu.memory_space<hbm>>
      tpu.enqueue_indirect_dma source(%dma_start3A_30 : memref<10000x128xf32, #tpu.memory_space<hbm>>) target(%arg8 : memref<128x128xf32, #tpu.memory_space<vmem>>) offsets(%dma_start3A_27 : memref<128xi32, #tpu.memory_space<vmem>>) semaphore(%arg11 : memref<!tpu.dma_semaphore, #tpu.memory_space<semaphore_mem>>)
      %dma_wait3A = arith.constant 0 : i32
      %dma_wait3A_31 = tpu.memref_slice %arg6[%scan3A_25, %dma_wait3A] : memref<79x128xi32, #tpu.memory_space<vmem>> -> memref<1x128xi32, #tpu.memory_space<vmem>>
      %dma_wait3A_32 = tpu.memref_squeeze %dma_wait3A_31 : memref<1x128xi32, #tpu.memory_space<vmem>> -> memref<128xi32, #tpu.memory_space<vmem>>
      %dma_wait3A_33 = arith.constant 0 : i32
      %dma_wait3A_34 = arith.constant 0 : i32
      %dma_wait3A_35 = tpu.memref_slice %arg4[%dma_wait3A_33, %dma_wait3A_34] : memref<10000x128xf32, #tpu.memory_space<hbm>> -> memref<10000x128xf32, #tpu.memory_space<hbm>>
      tpu.wait_indirect_dma semaphore(%arg11 : memref<!tpu.dma_semaphore, #tpu.memory_space<semaphore_mem>>) src(%dma_wait3A_35 : memref<10000x128xf32, #tpu.memory_space<hbm>>) dst(%arg8 : memref<128x128xf32, #tpu.memory_space<vmem>>)
      "tpu.region"() ({
        %run_scoped3A = tpu.sem_alloc : memref<!tpu.dma_semaphore, #tpu.memory_space<semaphore_mem>>
        %dma_start3A_36 = arith.constant 0 : i32
        %dma_start3A_37 = tpu.memref_slice %arg7[%scan3A_25, %dma_start3A_36] : memref<79x128xi32, #tpu.memory_space<vmem>> -> memref<1x128xi32, #tpu.memory_space<vmem>>
        %dma_start3A_38 = tpu.memref_squeeze %dma_start3A_37 : memref<1x128xi32, #tpu.memory_space<vmem>> -> memref<128xi32, #tpu.memory_space<vmem>>
        %dma_start3A_39 = arith.constant 0 : i32
        %dma_start3A_40 = arith.constant 0 : i32
        %dma_start3A_41 = tpu.memref_slice %arg10[%dma_start3A_39, %dma_start3A_40] : memref<10240x128xf32, #tpu.memory_space<vmem_shared>> -> memref<10240x128xf32, #tpu.memory_space<vmem_shared>>
        tpu.enqueue_indirect_dma source(%arg8 : memref<128x128xf32, #tpu.memory_space<vmem>>) target(%dma_start3A_41 : memref<10240x128xf32, #tpu.memory_space<vmem_shared>>) offsets(%dma_start3A_38 : memref<128xi32, #tpu.memory_space<vmem>>) semaphore(%run_scoped3A : memref<!tpu.dma_semaphore, #tpu.memory_space<semaphore_mem>>) {add = true}
        %dma_wait3A_42 = arith.constant 0 : i32
        %dma_wait3A_43 = tpu.memref_slice %arg7[%scan3A_25, %dma_wait3A_42] : memref<79x128xi32, #tpu.memory_space<vmem>> -> memref<1x128xi32, #tpu.memory_space<vmem>>
        %dma_wait3A_44 = tpu.memref_squeeze %dma_wait3A_43 : memref<1x128xi32, #tpu.memory_space<vmem>> -> memref<128xi32, #tpu.memory_space<vmem>>
        %dma_wait3A_45 = arith.constant 0 : i32
        %dma_wait3A_46 = arith.constant 0 : i32
        %dma_wait3A_47 = tpu.memref_slice %arg10[%dma_wait3A_45, %dma_wait3A_46] : memref<10240x128xf32, #tpu.memory_space<vmem_shared>> -> memref<10240x128xf32, #tpu.memory_space<vmem_shared>>
        tpu.wait_indirect_dma semaphore(%run_scoped3A : memref<!tpu.dma_semaphore, #tpu.memory_space<semaphore_mem>>) src(%arg8 : memref<128x128xf32, #tpu.memory_space<vmem>>) dst(%dma_wait3A_47 : memref<10240x128xf32, #tpu.memory_space<vmem_shared>>)
        tpu.yield
      }) : () -> ()
    }
    %scan3A_17 = arith.constant 79 : i32
    %barrier3A_18 = arith.constant 0 : index
    tpu.barrier barrier_id(%barrier3A_18)
    %mul3A_19 = arith.constant 624 : i32
    %mul3A_20 = arith.muli %arg1, %mul3A_19 : i32
    %mul3A_21 = arith.constant 624 : i32
    %mul3A_22 = arith.muli %arg1, %mul3A_21 : i32
    "tpu.region"() ({
      %run_scoped3A = tpu.sem_alloc : memref<!tpu.dma_semaphore, #tpu.memory_space<semaphore_mem>>
      %dma_start3A = arith.constant 0 : i32
      %dma_start3A_25 = tpu.memref_slice %arg5[%arg0, %mul3A_22, %dma_start3A] : memref<2x10000x128xf32, #tpu.memory_space<hbm>> -> memref<1x624x128xf32, #tpu.memory_space<hbm>>
      %dma_start3A_26 = tpu.memref_squeeze %dma_start3A_25 : memref<1x624x128xf32, #tpu.memory_space<hbm>> -> memref<624x128xf32, #tpu.memory_space<hbm>>
      %dma_start3A_27 = arith.constant 0 : i32
      %dma_start3A_28 = tpu.memref_slice %arg10[%mul3A_20, %dma_start3A_27] : memref<10240x128xf32, #tpu.memory_space<vmem_shared>> -> memref<624x128xf32, #tpu.memory_space<vmem_shared>>
      tpu.enqueue_dma source(%dma_start3A_28 : memref<624x128xf32, #tpu.memory_space<vmem_shared>>) target(%dma_start3A_26 : memref<624x128xf32, #tpu.memory_space<hbm>>) target_semaphore(%run_scoped3A : memref<!tpu.dma_semaphore, #tpu.memory_space<semaphore_mem>>)
      %dma_wait3A = arith.constant 0 : i32
      %dma_wait3A_29 = tpu.memref_slice %arg5[%arg0, %mul3A_22, %dma_wait3A] : memref<2x10000x128xf32, #tpu.memory_space<hbm>> -> memref<1x624x128xf32, #tpu.memory_space<hbm>>
      %dma_wait3A_30 = tpu.memref_squeeze %dma_wait3A_29 : memref<1x624x128xf32, #tpu.memory_space<hbm>> -> memref<624x128xf32, #tpu.memory_space<hbm>>
      %dma_wait3A_31 = arith.constant 0 : i32
      %dma_wait3A_32 = tpu.memref_slice %arg10[%mul3A_20, %dma_wait3A_31] : memref<10240x128xf32, #tpu.memory_space<vmem_shared>> -> memref<624x128xf32, #tpu.memory_space<vmem_shared>>
      tpu.wait_dma2 semaphore(%run_scoped3A : memref<!tpu.dma_semaphore, #tpu.memory_space<semaphore_mem>>) src(%dma_wait3A_32 : memref<624x128xf32, #tpu.memory_space<vmem_shared>>) dst(%dma_wait3A_30 : memref<624x128xf32, #tpu.memory_space<hbm>>)
      tpu.yield
    }) : () -> ()
    %eq3A = arith.constant 15 : i32
    %eq3A_23 = arith.cmpi eq, %arg1, %eq3A : i32
    %convert_element_type3A = arith.extui %eq3A_23 : i1 to i32
    %cond3A = arith.constant 0 : i32
    %cond3A_24 = arith.cmpi ne, %convert_element_type3A, %cond3A : i32
    scf.if %cond3A_24 {
      "tpu.region"() ({
        %run_scoped3A = tpu.sem_alloc : memref<!tpu.dma_semaphore, #tpu.memory_space<semaphore_mem>>
        %dma_start3A = arith.constant 9984 : i32
        %dma_start3A_25 = arith.constant 0 : i32
        %dma_start3A_26 = tpu.memref_slice %arg5[%arg0, %dma_start3A, %dma_start3A_25] : memref<2x10000x128xf32, #tpu.memory_space<hbm>> -> memref<1x16x128xf32, #tpu.memory_space<hbm>>
        %dma_start3A_27 = tpu.memref_squeeze %dma_start3A_26 : memref<1x16x128xf32, #tpu.memory_space<hbm>> -> memref<16x128xf32, #tpu.memory_space<hbm>>
        %dma_start3A_28 = arith.constant 9984 : i32
        %dma_start3A_29 = arith.constant 0 : i32
        %dma_start3A_30 = tpu.memref_slice %arg10[%dma_start3A_28, %dma_start3A_29] : memref<10240x128xf32, #tpu.memory_space<vmem_shared>> -> memref<16x128xf32, #tpu.memory_space<vmem_shared>>
        tpu.enqueue_dma source(%dma_start3A_30 : memref<16x128xf32, #tpu.memory_space<vmem_shared>>) target(%dma_start3A_27 : memref<16x128xf32, #tpu.memory_space<hbm>>) target_semaphore(%run_scoped3A : memref<!tpu.dma_semaphore, #tpu.memory_space<semaphore_mem>>)
        %dma_wait3A = arith.constant 9984 : i32
        %dma_wait3A_31 = arith.constant 0 : i32
        %dma_wait3A_32 = tpu.memref_slice %arg5[%arg0, %dma_wait3A, %dma_wait3A_31] : memref<2x10000x128xf32, #tpu.memory_space<hbm>> -> memref<1x16x128xf32, #tpu.memory_space<hbm>>
        %dma_wait3A_33 = tpu.memref_squeeze %dma_wait3A_32 : memref<1x16x128xf32, #tpu.memory_space<hbm>> -> memref<16x128xf32, #tpu.memory_space<hbm>>
        %dma_wait3A_34 = arith.constant 9984 : i32
        %dma_wait3A_35 = arith.constant 0 : i32
        %dma_wait3A_36 = tpu.memref_slice %arg10[%dma_wait3A_34, %dma_wait3A_35] : memref<10240x128xf32, #tpu.memory_space<vmem_shared>> -> memref<16x128xf32, #tpu.memory_space<vmem_shared>>
        tpu.wait_dma2 semaphore(%run_scoped3A : memref<!tpu.dma_semaphore, #tpu.memory_space<semaphore_mem>>) src(%dma_wait3A_36 : memref<16x128xf32, #tpu.memory_space<vmem_shared>>) dst(%dma_wait3A_33 : memref<16x128xf32, #tpu.memory_space<hbm>>)
        tpu.yield
      }) : () -> ()
    } else {
    }
    return
  }
}

#map = affine_map<(d0, d1) -> (0, 0, 0)>
#map1 = affine_map<(d0, d1) -> (0, 0)>
module attributes {stable_mosaic.version = 14 : i64} {
  func.func @_edge_body(%arg0: i32, %arg1: i32, %arg2: memref<32x79x128xi32, #tpu.memory_space<hbm>>, %arg3: memref<32x79x128xi32, #tpu.memory_space<hbm>>, %arg4: memref<10000x128xf32, #tpu.memory_space<hbm>>, %arg5: memref<2x10000x128xf32, #tpu.memory_space<hbm>>, %arg6: memref<79x128xi32, #tpu.memory_space<vmem>>, %arg7: memref<79x128xi32, #tpu.memory_space<vmem>>, %arg8: memref<128x128xf32, #tpu.memory_space<vmem>>, %arg9: memref<80x128xf32, #tpu.memory_space<vmem>>, %arg10: memref<10240x128xf32, #tpu.memory_space<vmem_shared>>, %arg11: memref<!tpu.dma_semaphore, #tpu.memory_space<semaphore_mem>>) attributes {dimension_semantics = [#tpu.dimension_semantics<core_parallel>, #tpu.dimension_semantics<subcore_parallel>], iteration_bounds = array<i64: 2, 16>, scalar_prefetch = 0 : i64, scratch_operands = 6 : i64, tpu.core_type = #tpu.core_type<sc_vector_subcore>, window_params = [{transform_indices = #map}, {transform_indices = #map}, {transform_indices = #map1}, {transform_indices = #map}]} {
    %mul3A = arith.constant 16 : i32
    %mul3A_0 = arith.muli %arg0, %mul3A : i32
    %add3A = arith.addi %mul3A_0, %arg1 : i32
    %scan3A = arith.constant 0 : i32
    %scan3A_1 = arith.constant 0 : i32
    %scan3A_2 = arith.constant 80 : i32
    %scan3A_3 = arith.addi %scan3A_1, %scan3A_2 : i32
    %scan3A_4 = arith.constant 1 : i32
    scf.for %scan3A_25 = %scan3A_1 to %scan3A_3 step %scan3A_4  : i32 {
      %broadcast_in_dim3A = arith.constant 0.000000e+00 : f32
      %broadcast_in_dim3A_26 = vector.broadcast %broadcast_in_dim3A : f32 to vector<16xf32>
      %swap3A = arith.index_cast %scan3A_25 : i32 to index
      %swap3A_27 = arith.constant 0 : index
      %swap3A_28 = tpu.vector_load %arg9[%swap3A, %swap3A_27] {strides = array<i32>} : memref<80x128xf32, #tpu.memory_space<vmem>>, vector<1x16xf32>,
      %swap3A_29 = vector.shape_cast %swap3A_28 : vector<1x16xf32> to vector<16xf32>
      %swap3A_30 = vector.shape_cast %broadcast_in_dim3A_26 : vector<16xf32> to vector<1x16xf32>
      tpu.vector_store %arg9[%swap3A, %swap3A_27], %swap3A_30 {strides = array<i32>} : memref<80x128xf32, #tpu.memory_space<vmem>>, vector<1x16xf32>,
      %broadcast_in_dim3A_31 = arith.constant 0.000000e+00 : f32
      %broadcast_in_dim3A_32 = vector.broadcast %broadcast_in_dim3A_31 : f32 to vector<16xf32>
      %swap3A_33 = arith.index_cast %scan3A_25 : i32 to index
      %swap3A_34 = arith.constant 16 : index
      %swap3A_35 = tpu.vector_load %arg9[%swap3A_33, %swap3A_34] {strides = array<i32>} : memref<80x128xf32, #tpu.memory_space<vmem>>, vector<1x16xf32>,
      %swap3A_36 = vector.shape_cast %swap3A_35 : vector<1x16xf32> to vector<16xf32>
      %swap3A_37 = vector.shape_cast %broadcast_in_dim3A_32 : vector<16xf32> to vector<1x16xf32>
      tpu.vector_store %arg9[%swap3A_33, %swap3A_34], %swap3A_37 {strides = array<i32>} : memref<80x128xf32, #tpu.memory_space<vmem>>, vector<1x16xf32>,
      %broadcast_in_dim3A_38 = arith.constant 0.000000e+00 : f32
      %broadcast_in_dim3A_39 = vector.broadcast %broadcast_in_dim3A_38 : f32 to vector<16xf32>
      %swap3A_40 = arith.index_cast %scan3A_25 : i32 to index
      %swap3A_41 = arith.constant 32 : index
      %swap3A_42 = tpu.vector_load %arg9[%swap3A_40, %swap3A_41] {strides = array<i32>} : memref<80x128xf32, #tpu.memory_space<vmem>>, vector<1x16xf32>,
      %swap3A_43 = vector.shape_cast %swap3A_42 : vector<1x16xf32> to vector<16xf32>
      %swap3A_44 = vector.shape_cast %broadcast_in_dim3A_39 : vector<16xf32> to vector<1x16xf32>
      tpu.vector_store %arg9[%swap3A_40, %swap3A_41], %swap3A_44 {strides = array<i32>} : memref<80x128xf32, #tpu.memory_space<vmem>>, vector<1x16xf32>,
      %broadcast_in_dim3A_45 = arith.constant 0.000000e+00 : f32
      %broadcast_in_dim3A_46 = vector.broadcast %broadcast_in_dim3A_45 : f32 to vector<16xf32>
      %swap3A_47 = arith.index_cast %scan3A_25 : i32 to index
      %swap3A_48 = arith.constant 48 : index
      %swap3A_49 = tpu.vector_load %arg9[%swap3A_47, %swap3A_48] {strides = array<i32>} : memref<80x128xf32, #tpu.memory_space<vmem>>, vector<1x16xf32>,
      %swap3A_50 = vector.shape_cast %swap3A_49 : vector<1x16xf32> to vector<16xf32>
      %swap3A_51 = vector.shape_cast %broadcast_in_dim3A_46 : vector<16xf32> to vector<1x16xf32>
      tpu.vector_store %arg9[%swap3A_47, %swap3A_48], %swap3A_51 {strides = array<i32>} : memref<80x128xf32, #tpu.memory_space<vmem>>, vector<1x16xf32>,
      %broadcast_in_dim3A_52 = arith.constant 0.000000e+00 : f32
      %broadcast_in_dim3A_53 = vector.broadcast %broadcast_in_dim3A_52 : f32 to vector<16xf32>
      %swap3A_54 = arith.index_cast %scan3A_25 : i32 to index
      %swap3A_55 = arith.constant 64 : index
      %swap3A_56 = tpu.vector_load %arg9[%swap3A_54, %swap3A_55] {strides = array<i32>} : memref<80x128xf32, #tpu.memory_space<vmem>>, vector<1x16xf32>,
      %swap3A_57 = vector.shape_cast %swap3A_56 : vector<1x16xf32> to vector<16xf32>
      %swap3A_58 = vector.shape_cast %broadcast_in_dim3A_53 : vector<16xf32> to vector<1x16xf32>
      tpu.vector_store %arg9[%swap3A_54, %swap3A_55], %swap3A_58 {strides = array<i32>} : memref<80x128xf32, #tpu.memory_space<vmem>>, vector<1x16xf32>,
      %broadcast_in_dim3A_59 = arith.constant 0.000000e+00 : f32
      %broadcast_in_dim3A_60 = vector.broadcast %broadcast_in_dim3A_59 : f32 to vector<16xf32>
      %swap3A_61 = arith.index_cast %scan3A_25 : i32 to index
      %swap3A_62 = arith.constant 80 : index
      %swap3A_63 = tpu.vector_load %arg9[%swap3A_61, %swap3A_62] {strides = array<i32>} : memref<80x128xf32, #tpu.memory_space<vmem>>, vector<1x16xf32>,
      %swap3A_64 = vector.shape_cast %swap3A_63 : vector<1x16xf32> to vector<16xf32>
      %swap3A_65 = vector.shape_cast %broadcast_in_dim3A_60 : vector<16xf32> to vector<1x16xf32>
      tpu.vector_store %arg9[%swap3A_61, %swap3A_62], %swap3A_65 {strides = array<i32>} : memref<80x128xf32, #tpu.memory_space<vmem>>, vector<1x16xf32>,
      %broadcast_in_dim3A_66 = arith.constant 0.000000e+00 : f32
      %broadcast_in_dim3A_67 = vector.broadcast %broadcast_in_dim3A_66 : f32 to vector<16xf32>
      %swap3A_68 = arith.index_cast %scan3A_25 : i32 to index
      %swap3A_69 = arith.constant 96 : index
      %swap3A_70 = tpu.vector_load %arg9[%swap3A_68, %swap3A_69] {strides = array<i32>} : memref<80x128xf32, #tpu.memory_space<vmem>>, vector<1x16xf32>,
      %swap3A_71 = vector.shape_cast %swap3A_70 : vector<1x16xf32> to vector<16xf32>
      %swap3A_72 = vector.shape_cast %broadcast_in_dim3A_67 : vector<16xf32> to vector<1x16xf32>
      tpu.vector_store %arg9[%swap3A_68, %swap3A_69], %swap3A_72 {strides = array<i32>} : memref<80x128xf32, #tpu.memory_space<vmem>>, vector<1x16xf32>,
      %broadcast_in_dim3A_73 = arith.constant 0.000000e+00 : f32
      %broadcast_in_dim3A_74 = vector.broadcast %broadcast_in_dim3A_73 : f32 to vector<16xf32>
      %swap3A_75 = arith.index_cast %scan3A_25 : i32 to index
      %swap3A_76 = arith.constant 112 : index
      %swap3A_77 = tpu.vector_load %arg9[%swap3A_75, %swap3A_76] {strides = array<i32>} : memref<80x128xf32, #tpu.memory_space<vmem>>, vector<1x16xf32>,
      %swap3A_78 = vector.shape_cast %swap3A_77 : vector<1x16xf32> to vector<16xf32>
      %swap3A_79 = vector.shape_cast %broadcast_in_dim3A_74 : vector<16xf32> to vector<1x16xf32>
      tpu.vector_store %arg9[%swap3A_75, %swap3A_76], %swap3A_79 {strides = array<i32>} : memref<80x128xf32, #tpu.memory_space<vmem>>, vector<1x16xf32>,
    }
    %scan3A_5 = arith.constant 80 : i32
    %scan3A_6 = arith.constant 0 : i32
    %scan3A_7 = arith.constant 0 : i32
    %scan3A_8 = arith.constant 8 : i32
    %scan3A_9 = arith.addi %scan3A_7, %scan3A_8 : i32
    %scan3A_10 = arith.constant 1 : i32
    scf.for %scan3A_25 = %scan3A_7 to %scan3A_9 step %scan3A_10  : i32 {
      %mul3A_26 = arith.constant 640 : i32
      %mul3A_27 = arith.muli %arg1, %mul3A_26 : i32
      %mul3A_28 = arith.constant 80 : i32
      %mul3A_29 = arith.muli %scan3A_25, %mul3A_28 : i32
      %add3A_30 = arith.addi %mul3A_27, %mul3A_29 : i32
      "tpu.region"() ({
        %run_scoped3A = tpu.sem_alloc : memref<!tpu.dma_semaphore, #tpu.memory_space<semaphore_mem>>
        %dma_start3A = arith.constant 0 : i32
        %dma_start3A_31 = tpu.memref_slice %arg10[%add3A_30, %dma_start3A] : memref<10240x128xf32, #tpu.memory_space<vmem_shared>> -> memref<80x128xf32, #tpu.memory_space<vmem_shared>>
        %dma_start3A_32 = arith.constant 0 : i32
        %dma_start3A_33 = tpu.memref_slice %arg10[%add3A_30, %dma_start3A_32] : memref<10240x128xf32, #tpu.memory_space<vmem_shared>> -> memref<80x128xf32, #tpu.memory_space<vmem_shared>>
        tpu.enqueue_dma source(%arg9 : memref<80x128xf32, #tpu.memory_space<vmem>>) target(%dma_start3A_33 : memref<80x128xf32, #tpu.memory_space<vmem_shared>>) target_semaphore(%run_scoped3A : memref<!tpu.dma_semaphore, #tpu.memory_space<semaphore_mem>>)
        %dma_wait3A = arith.constant 0 : i32
        %dma_wait3A_34 = tpu.memref_slice %arg10[%add3A_30, %dma_wait3A] : memref<10240x128xf32, #tpu.memory_space<vmem_shared>> -> memref<80x128xf32, #tpu.memory_space<vmem_shared>>
        %dma_wait3A_35 = arith.constant 0 : i32
        %dma_wait3A_36 = tpu.memref_slice %arg10[%add3A_30, %dma_wait3A_35] : memref<10240x128xf32, #tpu.memory_space<vmem_shared>> -> memref<80x128xf32, #tpu.memory_space<vmem_shared>>
        tpu.wait_dma2 semaphore(%run_scoped3A : memref<!tpu.dma_semaphore, #tpu.memory_space<semaphore_mem>>) src(%arg9 : memref<80x128xf32, #tpu.memory_space<vmem>>) dst(%dma_wait3A_36 : memref<80x128xf32, #tpu.memory_space<vmem_shared>>)
        tpu.yield
      }) : () -> ()
    }
    %scan3A_11 = arith.constant 8 : i32
    "tpu.region"() ({
      %run_scoped3A = tpu.sem_alloc : memref<!tpu.dma_semaphore, #tpu.memory_space<semaphore_mem>>
      %dma_start3A = arith.constant 0 : i32
      %dma_start3A_25 = arith.constant 0 : i32
      %dma_start3A_26 = tpu.memref_slice %arg2[%add3A, %dma_start3A, %dma_start3A_25] : memref<32x79x128xi32, #tpu.memory_space<hbm>> -> memref<1x79x128xi32, #tpu.memory_space<hbm>>
      %dma_start3A_27 = tpu.memref_squeeze %dma_start3A_26 : memref<1x79x128xi32, #tpu.memory_space<hbm>> -> memref<79x128xi32, #tpu.memory_space<hbm>>
      %dma_start3A_28 = arith.constant 0 : i32
      %dma_start3A_29 = arith.constant 0 : i32
      %dma_start3A_30 = tpu.memref_slice %arg2[%add3A, %dma_start3A_28, %dma_start3A_29] : memref<32x79x128xi32, #tpu.memory_space<hbm>> -> memref<1x79x128xi32, #tpu.memory_space<hbm>>
      %dma_start3A_31 = tpu.memref_squeeze %dma_start3A_30 : memref<1x79x128xi32, #tpu.memory_space<hbm>> -> memref<79x128xi32, #tpu.memory_space<hbm>>
      tpu.enqueue_dma source(%dma_start3A_31 : memref<79x128xi32, #tpu.memory_space<hbm>>) target(%arg6 : memref<79x128xi32, #tpu.memory_space<vmem>>) target_semaphore(%run_scoped3A : memref<!tpu.dma_semaphore, #tpu.memory_space<semaphore_mem>>)
      %dma_wait3A = arith.constant 0 : i32
      %dma_wait3A_32 = arith.constant 0 : i32
      %dma_wait3A_33 = tpu.memref_slice %arg2[%add3A, %dma_wait3A, %dma_wait3A_32] : memref<32x79x128xi32, #tpu.memory_space<hbm>> -> memref<1x79x128xi32, #tpu.memory_space<hbm>>
      %dma_wait3A_34 = tpu.memref_squeeze %dma_wait3A_33 : memref<1x79x128xi32, #tpu.memory_space<hbm>> -> memref<79x128xi32, #tpu.memory_space<hbm>>
      %dma_wait3A_35 = arith.constant 0 : i32
      %dma_wait3A_36 = arith.constant 0 : i32
      %dma_wait3A_37 = tpu.memref_slice %arg2[%add3A, %dma_wait3A_35, %dma_wait3A_36] : memref<32x79x128xi32, #tpu.memory_space<hbm>> -> memref<1x79x128xi32, #tpu.memory_space<hbm>>
      %dma_wait3A_38 = tpu.memref_squeeze %dma_wait3A_37 : memref<1x79x128xi32, #tpu.memory_space<hbm>> -> memref<79x128xi32, #tpu.memory_space<hbm>>
      tpu.wait_dma2 semaphore(%run_scoped3A : memref<!tpu.dma_semaphore, #tpu.memory_space<semaphore_mem>>) src(%dma_wait3A_38 : memref<79x128xi32, #tpu.memory_space<hbm>>) dst(%arg6 : memref<79x128xi32, #tpu.memory_space<vmem>>)
      tpu.yield
    }) : () -> ()
    "tpu.region"() ({
      %run_scoped3A = tpu.sem_alloc : memref<!tpu.dma_semaphore, #tpu.memory_space<semaphore_mem>>
      %dma_start3A = arith.constant 0 : i32
      %dma_start3A_25 = arith.constant 0 : i32
      %dma_start3A_26 = tpu.memref_slice %arg3[%add3A, %dma_start3A, %dma_start3A_25] : memref<32x79x128xi32, #tpu.memory_space<hbm>> -> memref<1x79x128xi32, #tpu.memory_space<hbm>>
      %dma_start3A_27 = tpu.memref_squeeze %dma_start3A_26 : memref<1x79x128xi32, #tpu.memory_space<hbm>> -> memref<79x128xi32, #tpu.memory_space<hbm>>
      %dma_start3A_28 = arith.constant 0 : i32
      %dma_start3A_29 = arith.constant 0 : i32
      %dma_start3A_30 = tpu.memref_slice %arg3[%add3A, %dma_start3A_28, %dma_start3A_29] : memref<32x79x128xi32, #tpu.memory_space<hbm>> -> memref<1x79x128xi32, #tpu.memory_space<hbm>>
      %dma_start3A_31 = tpu.memref_squeeze %dma_start3A_30 : memref<1x79x128xi32, #tpu.memory_space<hbm>> -> memref<79x128xi32, #tpu.memory_space<hbm>>
      tpu.enqueue_dma source(%dma_start3A_31 : memref<79x128xi32, #tpu.memory_space<hbm>>) target(%arg7 : memref<79x128xi32, #tpu.memory_space<vmem>>) target_semaphore(%run_scoped3A : memref<!tpu.dma_semaphore, #tpu.memory_space<semaphore_mem>>)
      %dma_wait3A = arith.constant 0 : i32
      %dma_wait3A_32 = arith.constant 0 : i32
      %dma_wait3A_33 = tpu.memref_slice %arg3[%add3A, %dma_wait3A, %dma_wait3A_32] : memref<32x79x128xi32, #tpu.memory_space<hbm>> -> memref<1x79x128xi32, #tpu.memory_space<hbm>>
      %dma_wait3A_34 = tpu.memref_squeeze %dma_wait3A_33 : memref<1x79x128xi32, #tpu.memory_space<hbm>> -> memref<79x128xi32, #tpu.memory_space<hbm>>
      %dma_wait3A_35 = arith.constant 0 : i32
      %dma_wait3A_36 = arith.constant 0 : i32
      %dma_wait3A_37 = tpu.memref_slice %arg3[%add3A, %dma_wait3A_35, %dma_wait3A_36] : memref<32x79x128xi32, #tpu.memory_space<hbm>> -> memref<1x79x128xi32, #tpu.memory_space<hbm>>
      %dma_wait3A_38 = tpu.memref_squeeze %dma_wait3A_37 : memref<1x79x128xi32, #tpu.memory_space<hbm>> -> memref<79x128xi32, #tpu.memory_space<hbm>>
      tpu.wait_dma2 semaphore(%run_scoped3A : memref<!tpu.dma_semaphore, #tpu.memory_space<semaphore_mem>>) src(%dma_wait3A_38 : memref<79x128xi32, #tpu.memory_space<hbm>>) dst(%arg7 : memref<79x128xi32, #tpu.memory_space<vmem>>)
      tpu.yield
    }) : () -> ()
    %barrier3A = arith.constant 0 : index
    tpu.barrier barrier_id(%barrier3A)
    %scan3A_12 = arith.constant 0 : i32
    %scan3A_13 = arith.constant 0 : i32
    %scan3A_14 = arith.constant 79 : i32
    %scan3A_15 = arith.addi %scan3A_13, %scan3A_14 : i32
    %scan3A_16 = arith.constant 1 : i32
    scf.for %scan3A_25 = %scan3A_13 to %scan3A_15 step %scan3A_16  : i32 {
      %dma_start3A = arith.constant 0 : i32
      %dma_start3A_26 = tpu.memref_slice %arg6[%scan3A_25, %dma_start3A] : memref<79x128xi32, #tpu.memory_space<vmem>> -> memref<1x128xi32, #tpu.memory_space<vmem>>
      %dma_start3A_27 = tpu.memref_squeeze %dma_start3A_26 : memref<1x128xi32, #tpu.memory_space<vmem>> -> memref<128xi32, #tpu.memory_space<vmem>>
      %dma_start3A_28 = arith.constant 0 : i32
      %dma_start3A_29 = arith.constant 0 : i32
      %dma_start3A_30 = tpu.memref_slice %arg4[%dma_start3A_28, %dma_start3A_29] : memref<10000x128xf32, #tpu.memory_space<hbm>> -> memref<10000x128xf32, #tpu.memory_space<hbm>>
      tpu.enqueue_indirect_dma source(%dma_start3A_30 : memref<10000x128xf32, #tpu.memory_space<hbm>>) target(%arg8 : memref<128x128xf32, #tpu.memory_space<vmem>>) offsets(%dma_start3A_27 : memref<128xi32, #tpu.memory_space<vmem>>) semaphore(%arg11 : memref<!tpu.dma_semaphore, #tpu.memory_space<semaphore_mem>>)
      %dma_wait3A = arith.constant 0 : i32
      %dma_wait3A_31 = tpu.memref_slice %arg6[%scan3A_25, %dma_wait3A] : memref<79x128xi32, #tpu.memory_space<vmem>> -> memref<1x128xi32, #tpu.memory_space<vmem>>
      %dma_wait3A_32 = tpu.memref_squeeze %dma_wait3A_31 : memref<1x128xi32, #tpu.memory_space<vmem>> -> memref<128xi32, #tpu.memory_space<vmem>>
      %dma_wait3A_33 = arith.constant 0 : i32
      %dma_wait3A_34 = arith.constant 0 : i32
      %dma_wait3A_35 = tpu.memref_slice %arg4[%dma_wait3A_33, %dma_wait3A_34] : memref<10000x128xf32, #tpu.memory_space<hbm>> -> memref<10000x128xf32, #tpu.memory_space<hbm>>
      tpu.wait_indirect_dma semaphore(%arg11 : memref<!tpu.dma_semaphore, #tpu.memory_space<semaphore_mem>>) src(%dma_wait3A_35 : memref<10000x128xf32, #tpu.memory_space<hbm>>) dst(%arg8 : memref<128x128xf32, #tpu.memory_space<vmem>>)
      "tpu.region"() ({
        %run_scoped3A = tpu.sem_alloc : memref<!tpu.dma_semaphore, #tpu.memory_space<semaphore_mem>>
        %dma_start3A_36 = arith.constant 0 : i32
        %dma_start3A_37 = tpu.memref_slice %arg7[%scan3A_25, %dma_start3A_36] : memref<79x128xi32, #tpu.memory_space<vmem>> -> memref<1x128xi32, #tpu.memory_space<vmem>>
        %dma_start3A_38 = tpu.memref_squeeze %dma_start3A_37 : memref<1x128xi32, #tpu.memory_space<vmem>> -> memref<128xi32, #tpu.memory_space<vmem>>
        %dma_start3A_39 = arith.constant 0 : i32
        %dma_start3A_40 = arith.constant 0 : i32
        %dma_start3A_41 = tpu.memref_slice %arg10[%dma_start3A_39, %dma_start3A_40] : memref<10240x128xf32, #tpu.memory_space<vmem_shared>> -> memref<10240x128xf32, #tpu.memory_space<vmem_shared>>
        tpu.enqueue_indirect_dma source(%arg8 : memref<128x128xf32, #tpu.memory_space<vmem>>) target(%dma_start3A_41 : memref<10240x128xf32, #tpu.memory_space<vmem_shared>>) offsets(%dma_start3A_38 : memref<128xi32, #tpu.memory_space<vmem>>) semaphore(%run_scoped3A : memref<!tpu.dma_semaphore, #tpu.memory_space<semaphore_mem>>) {add = true}
        %dma_wait3A_42 = arith.constant 0 : i32
        %dma_wait3A_43 = tpu.memref_slice %arg7[%scan3A_25, %dma_wait3A_42] : memref<79x128xi32, #tpu.memory_space<vmem>> -> memref<1x128xi32, #tpu.memory_space<vmem>>
        %dma_wait3A_44 = tpu.memref_squeeze %dma_wait3A_43 : memref<1x128xi32, #tpu.memory_space<vmem>> -> memref<128xi32, #tpu.memory_space<vmem>>
        %dma_wait3A_45 = arith.constant 0 : i32
        %dma_wait3A_46 = arith.constant 0 : i32
        %dma_wait3A_47 = tpu.memref_slice %arg10[%dma_wait3A_45, %dma_wait3A_46] : memref<10240x128xf32, #tpu.memory_space<vmem_shared>> -> memref<10240x128xf32, #tpu.memory_space<vmem_shared>>
        tpu.wait_indirect_dma semaphore(%run_scoped3A : memref<!tpu.dma_semaphore, #tpu.memory_space<semaphore_mem>>) src(%arg8 : memref<128x128xf32, #tpu.memory_space<vmem>>) dst(%dma_wait3A_47 : memref<10240x128xf32, #tpu.memory_space<vmem_shared>>)
        tpu.yield
      }) : () -> ()
    }
    %scan3A_17 = arith.constant 79 : i32
    %barrier3A_18 = arith.constant 0 : index
    tpu.barrier barrier_id(%barrier3A_18)
    %mul3A_19 = arith.constant 624 : i32
    %mul3A_20 = arith.muli %arg1, %mul3A_19 : i32
    %mul3A_21 = arith.constant 624 : i32
    %mul3A_22 = arith.muli %arg1, %mul3A_21 : i32
    "tpu.region"() ({
      %run_scoped3A = tpu.sem_alloc : memref<!tpu.dma_semaphore, #tpu.memory_space<semaphore_mem>>
      %dma_start3A = arith.constant 0 : i32
      %dma_start3A_25 = tpu.memref_slice %arg5[%arg0, %mul3A_22, %dma_start3A] : memref<2x10000x128xf32, #tpu.memory_space<hbm>> -> memref<1x624x128xf32, #tpu.memory_space<hbm>>
      %dma_start3A_26 = tpu.memref_squeeze %dma_start3A_25 : memref<1x624x128xf32, #tpu.memory_space<hbm>> -> memref<624x128xf32, #tpu.memory_space<hbm>>
      %dma_start3A_27 = arith.constant 0 : i32
      %dma_start3A_28 = tpu.memref_slice %arg10[%mul3A_20, %dma_start3A_27] : memref<10240x128xf32, #tpu.memory_space<vmem_shared>> -> memref<624x128xf32, #tpu.memory_space<vmem_shared>>
      tpu.enqueue_dma source(%dma_start3A_28 : memref<624x128xf32, #tpu.memory_space<vmem_shared>>) target(%dma_start3A_26 : memref<624x128xf32, #tpu.memory_space<hbm>>) target_semaphore(%run_scoped3A : memref<!tpu.dma_semaphore, #tpu.memory_space<semaphore_mem>>)
      %dma_wait3A = arith.constant 0 : i32
      %dma_wait3A_29 = tpu.memref_slice %arg5[%arg0, %mul3A_22, %dma_wait3A] : memref<2x10000x128xf32, #tpu.memory_space<hbm>> -> memref<1x624x128xf32, #tpu.memory_space<hbm>>
      %dma_wait3A_30 = tpu.memref_squeeze %dma_wait3A_29 : memref<1x624x128xf32, #tpu.memory_space<hbm>> -> memref<624x128xf32, #tpu.memory_space<hbm>>
      %dma_wait3A_31 = arith.constant 0 : i32
      %dma_wait3A_32 = tpu.memref_slice %arg10[%mul3A_20, %dma_wait3A_31] : memref<10240x128xf32, #tpu.memory_space<vmem_shared>> -> memref<624x128xf32, #tpu.memory_space<vmem_shared>>
      tpu.wait_dma2 semaphore(%run_scoped3A : memref<!tpu.dma_semaphore, #tpu.memory_space<semaphore_mem>>) src(%dma_wait3A_32 : memref<624x128xf32, #tpu.memory_space<vmem_shared>>) dst(%dma_wait3A_30 : memref<624x128xf32, #tpu.memory_space<hbm>>)
      tpu.yield
    }) : () -> ()
    %eq3A = arith.constant 15 : i32
    %eq3A_23 = arith.cmpi eq, %arg1, %eq3A : i32
    %convert_element_type3A = arith.extui %eq3A_23 : i1 to i32
    %cond3A = arith.constant 0 : i32
    %cond3A_24 = arith.cmpi ne, %convert_element_type3A, %cond3A : i32
    scf.if %cond3A_24 {
      "tpu.region"() ({
        %run_scoped3A = tpu.sem_alloc : memref<!tpu.dma_semaphore, #tpu.memory_space<semaphore_mem>>
        %dma_start3A = arith.constant 9984 : i32
        %dma_start3A_25 = arith.constant 0 : i32
        %dma_start3A_26 = tpu.memref_slice %arg5[%arg0, %dma_start3A, %dma_start3A_25] : memref<2x10000x128xf32, #tpu.memory_space<hbm>> -> memref<1x16x128xf32, #tpu.memory_space<hbm>>
        %dma_start3A_27 = tpu.memref_squeeze %dma_start3A_26 : memref<1x16x128xf32, #tpu.memory_space<hbm>> -> memref<16x128xf32, #tpu.memory_space<hbm>>
        %dma_start3A_28 = arith.constant 9984 : i32
        %dma_start3A_29 = arith.constant 0 : i32
        %dma_start3A_30 = tpu.memref_slice %arg10[%dma_start3A_28, %dma_start3A_29] : memref<10240x128xf32, #tpu.memory_space<vmem_shared>> -> memref<16x128xf32, #tpu.memory_space<vmem_shared>>
        tpu.enqueue_dma source(%dma_start3A_30 : memref<16x128xf32, #tpu.memory_space<vmem_shared>>) target(%dma_start3A_27 : memref<16x128xf32, #tpu.memory_space<hbm>>) target_semaphore(%run_scoped3A : memref<!tpu.dma_semaphore, #tpu.memory_space<semaphore_mem>>)
        %dma_wait3A = arith.constant 9984 : i32
        %dma_wait3A_31 = arith.constant 0 : i32
        %dma_wait3A_32 = tpu.memref_slice %arg5[%arg0, %dma_wait3A, %dma_wait3A_31] : memref<2x10000x128xf32, #tpu.memory_space<hbm>> -> memref<1x16x128xf32, #tpu.memory_space<hbm>>
        %dma_wait3A_33 = tpu.memref_squeeze %dma_wait3A_32 : memref<1x16x128xf32, #tpu.memory_space<hbm>> -> memref<16x128xf32, #tpu.memory_space<hbm>>
        %dma_wait3A_34 = arith.constant 9984 : i32
        %dma_wait3A_35 = arith.constant 0 : i32
        %dma_wait3A_36 = tpu.memref_slice %arg10[%dma_wait3A_34, %dma_wait3A_35] : memref<10240x128xf32, #tpu.memory_space<vmem_shared>> -> memref<16x128xf32, #tpu.memory_space<vmem_shared>>
        tpu.wait_dma2 semaphore(%run_scoped3A : memref<!tpu.dma_semaphore, #tpu.memory_space<semaphore_mem>>) src(%dma_wait3A_36 : memref<16x128xf32, #tpu.memory_space<vmem_shared>>) dst(%dma_wait3A_33 : memref<16x128xf32, #tpu.memory_space<hbm>>)
        tpu.yield
      }) : () -> ()
    } else {
    }
    return
  }
}

#map = affine_map<(d0, d1) -> (0, 0, 0)>
#map1 = affine_map<(d0, d1) -> (0, 0)>
module attributes {stable_mosaic.version = 14 : i64} {
  func.func @_deg_body(%arg0: i32, %arg1: i32, %arg2: memref<32x79x128xi32, #tpu.memory_space<hbm>>, %arg3: memref<2x10240xf32, #tpu.memory_space<hbm>>, %arg4: memref<79x128xi32, #tpu.memory_space<vmem>>, %arg5: memref<128xf32, #tpu.memory_space<vmem>>, %arg6: memref<640xf32, #tpu.memory_space<vmem>>, %arg7: memref<10240xf32, #tpu.memory_space<vmem_shared>>) attributes {dimension_semantics = [#tpu.dimension_semantics<core_parallel>, #tpu.dimension_semantics<subcore_parallel>], iteration_bounds = array<i64: 2, 16>, scalar_prefetch = 0 : i64, scratch_operands = 4 : i64, tpu.core_type = #tpu.core_type<sc_vector_subcore>, window_params = [{transform_indices = #map}, {transform_indices = #map1}]} {
    %mul3A = arith.constant 16 : i32
    %mul3A_0 = arith.muli %arg0, %mul3A : i32
    %add3A = arith.addi %mul3A_0, %arg1 : i32
    %scan3A = arith.constant 0 : i32
    %scan3A_1 = arith.constant 0 : i32
    %scan3A_2 = arith.constant 8 : i32
    %scan3A_3 = arith.addi %scan3A_1, %scan3A_2 : i32
    %scan3A_4 = arith.constant 1 : i32
    scf.for %scan3A_25 = %scan3A_1 to %scan3A_3 step %scan3A_4  : i32 {
      %broadcast_in_dim3A = arith.constant 1.000000e+00 : f32
      %broadcast_in_dim3A_26 = vector.broadcast %broadcast_in_dim3A : f32 to vector<16xf32>
      %mul3A_27 = arith.constant 16 : i32
      %mul3A_28 = arith.muli %scan3A_25, %mul3A_27 : i32
      %swap3A = arith.index_cast %mul3A_28 : i32 to index
      %swap3A_29 = tpu.vector_load %arg5[%swap3A] {strides = array<i32>} : memref<128xf32, #tpu.memory_space<vmem>>, vector<16xf32>,
      %swap3A_30 = vector.shape_cast %swap3A_29 : vector<16xf32> to vector<16xf32>
      %swap3A_31 = vector.shape_cast %broadcast_in_dim3A_26 : vector<16xf32> to vector<16xf32>
      tpu.vector_store %arg5[%swap3A], %swap3A_31 {strides = array<i32>} : memref<128xf32, #tpu.memory_space<vmem>>, vector<16xf32>,
    }
    %scan3A_5 = arith.constant 8 : i32
    %scan3A_6 = arith.constant 0 : i32
    %scan3A_7 = arith.constant 0 : i32
    %scan3A_8 = arith.constant 40 : i32
    %scan3A_9 = arith.addi %scan3A_7, %scan3A_8 : i32
    %scan3A_10 = arith.constant 1 : i32
    scf.for %scan3A_25 = %scan3A_7 to %scan3A_9 step %scan3A_10  : i32 {
      %broadcast_in_dim3A = arith.constant 0.000000e+00 : f32
      %broadcast_in_dim3A_26 = vector.broadcast %broadcast_in_dim3A : f32 to vector<16xf32>
      %mul3A_27 = arith.constant 16 : i32
      %mul3A_28 = arith.muli %scan3A_25, %mul3A_27 : i32
      %swap3A = arith.index_cast %mul3A_28 : i32 to index
      %swap3A_29 = tpu.vector_load %arg6[%swap3A] {strides = array<i32>} : memref<640xf32, #tpu.memory_space<vmem>>, vector<16xf32>,
      %swap3A_30 = vector.shape_cast %swap3A_29 : vector<16xf32> to vector<16xf32>
      %swap3A_31 = vector.shape_cast %broadcast_in_dim3A_26 : vector<16xf32> to vector<16xf32>
      tpu.vector_store %arg6[%swap3A], %swap3A_31 {strides = array<i32>} : memref<640xf32, #tpu.memory_space<vmem>>, vector<16xf32>,
    }
    %scan3A_11 = arith.constant 40 : i32
    %mul3A_12 = arith.constant 640 : i32
    %mul3A_13 = arith.muli %arg1, %mul3A_12 : i32
    "tpu.region"() ({
      %run_scoped3A = tpu.sem_alloc : memref<!tpu.dma_semaphore, #tpu.memory_space<semaphore_mem>>
      %dma_start3A = tpu.memref_slice %arg7[%mul3A_13] : memref<10240xf32, #tpu.memory_space<vmem_shared>> -> memref<640xf32, #tpu.memory_space<vmem_shared>>
      %dma_start3A_25 = tpu.memref_slice %arg7[%mul3A_13] : memref<10240xf32, #tpu.memory_space<vmem_shared>> -> memref<640xf32, #tpu.memory_space<vmem_shared>>
      tpu.enqueue_dma source(%arg6 : memref<640xf32, #tpu.memory_space<vmem>>) target(%dma_start3A_25 : memref<640xf32, #tpu.memory_space<vmem_shared>>) target_semaphore(%run_scoped3A : memref<!tpu.dma_semaphore, #tpu.memory_space<semaphore_mem>>)
      %dma_wait3A = tpu.memref_slice %arg7[%mul3A_13] : memref<10240xf32, #tpu.memory_space<vmem_shared>> -> memref<640xf32, #tpu.memory_space<vmem_shared>>
      %dma_wait3A_26 = tpu.memref_slice %arg7[%mul3A_13] : memref<10240xf32, #tpu.memory_space<vmem_shared>> -> memref<640xf32, #tpu.memory_space<vmem_shared>>
      tpu.wait_dma2 semaphore(%run_scoped3A : memref<!tpu.dma_semaphore, #tpu.memory_space<semaphore_mem>>) src(%arg6 : memref<640xf32, #tpu.memory_space<vmem>>) dst(%dma_wait3A_26 : memref<640xf32, #tpu.memory_space<vmem_shared>>)
      tpu.yield
    }) : () -> ()
    "tpu.region"() ({
      %run_scoped3A = tpu.sem_alloc : memref<!tpu.dma_semaphore, #tpu.memory_space<semaphore_mem>>
      %dma_start3A = arith.constant 0 : i32
      %dma_start3A_25 = arith.constant 0 : i32
      %dma_start3A_26 = tpu.memref_slice %arg2[%add3A, %dma_start3A, %dma_start3A_25] : memref<32x79x128xi32, #tpu.memory_space<hbm>> -> memref<1x79x128xi32, #tpu.memory_space<hbm>>
      %dma_start3A_27 = tpu.memref_squeeze %dma_start3A_26 : memref<1x79x128xi32, #tpu.memory_space<hbm>> -> memref<79x128xi32, #tpu.memory_space<hbm>>
      %dma_start3A_28 = arith.constant 0 : i32
      %dma_start3A_29 = arith.constant 0 : i32
      %dma_start3A_30 = tpu.memref_slice %arg2[%add3A, %dma_start3A_28, %dma_start3A_29] : memref<32x79x128xi32, #tpu.memory_space<hbm>> -> memref<1x79x128xi32, #tpu.memory_space<hbm>>
      %dma_start3A_31 = tpu.memref_squeeze %dma_start3A_30 : memref<1x79x128xi32, #tpu.memory_space<hbm>> -> memref<79x128xi32, #tpu.memory_space<hbm>>
      tpu.enqueue_dma source(%dma_start3A_31 : memref<79x128xi32, #tpu.memory_space<hbm>>) target(%arg4 : memref<79x128xi32, #tpu.memory_space<vmem>>) target_semaphore(%run_scoped3A : memref<!tpu.dma_semaphore, #tpu.memory_space<semaphore_mem>>)
      %dma_wait3A = arith.constant 0 : i32
      %dma_wait3A_32 = arith.constant 0 : i32
      %dma_wait3A_33 = tpu.memref_slice %arg2[%add3A, %dma_wait3A, %dma_wait3A_32] : memref<32x79x128xi32, #tpu.memory_space<hbm>> -> memref<1x79x128xi32, #tpu.memory_space<hbm>>
      %dma_wait3A_34 = tpu.memref_squeeze %dma_wait3A_33 : memref<1x79x128xi32, #tpu.memory_space<hbm>> -> memref<79x128xi32, #tpu.memory_space<hbm>>
      %dma_wait3A_35 = arith.constant 0 : i32
      %dma_wait3A_36 = arith.constant 0 : i32
      %dma_wait3A_37 = tpu.memref_slice %arg2[%add3A, %dma_wait3A_35, %dma_wait3A_36] : memref<32x79x128xi32, #tpu.memory_space<hbm>> -> memref<1x79x128xi32, #tpu.memory_space<hbm>>
      %dma_wait3A_38 = tpu.memref_squeeze %dma_wait3A_37 : memref<1x79x128xi32, #tpu.memory_space<hbm>> -> memref<79x128xi32, #tpu.memory_space<hbm>>
      tpu.wait_dma2 semaphore(%run_scoped3A : memref<!tpu.dma_semaphore, #tpu.memory_space<semaphore_mem>>) src(%dma_wait3A_38 : memref<79x128xi32, #tpu.memory_space<hbm>>) dst(%arg4 : memref<79x128xi32, #tpu.memory_space<vmem>>)
      tpu.yield
    }) : () -> ()
    %barrier3A = arith.constant 0 : index
    tpu.barrier barrier_id(%barrier3A)
    %scan3A_14 = arith.constant 0 : i32
    %scan3A_15 = arith.constant 0 : i32
    %scan3A_16 = arith.constant 79 : i32
    %scan3A_17 = arith.addi %scan3A_15, %scan3A_16 : i32
    %scan3A_18 = arith.constant 1 : i32
    scf.for %scan3A_25 = %scan3A_15 to %scan3A_17 step %scan3A_18  : i32 {
      "tpu.region"() ({
        %run_scoped3A = tpu.sem_alloc : memref<!tpu.dma_semaphore, #tpu.memory_space<semaphore_mem>>
        %dma_start3A = arith.constant 0 : i32
        %dma_start3A_26 = tpu.memref_slice %arg4[%scan3A_25, %dma_start3A] : memref<79x128xi32, #tpu.memory_space<vmem>> -> memref<1x128xi32, #tpu.memory_space<vmem>>
        %dma_start3A_27 = tpu.memref_squeeze %dma_start3A_26 : memref<1x128xi32, #tpu.memory_space<vmem>> -> memref<128xi32, #tpu.memory_space<vmem>>
        %dma_start3A_28 = arith.constant 0 : i32
        %dma_start3A_29 = tpu.memref_slice %arg7[%dma_start3A_28] : memref<10240xf32, #tpu.memory_space<vmem_shared>> -> memref<10240xf32, #tpu.memory_space<vmem_shared>>
        tpu.enqueue_indirect_dma source(%arg5 : memref<128xf32, #tpu.memory_space<vmem>>) target(%dma_start3A_29 : memref<10240xf32, #tpu.memory_space<vmem_shared>>) offsets(%dma_start3A_27 : memref<128xi32, #tpu.memory_space<vmem>>) semaphore(%run_scoped3A : memref<!tpu.dma_semaphore, #tpu.memory_space<semaphore_mem>>) {add = true}
        %dma_wait3A = arith.constant 0 : i32
        %dma_wait3A_30 = tpu.memref_slice %arg4[%scan3A_25, %dma_wait3A] : memref<79x128xi32, #tpu.memory_space<vmem>> -> memref<1x128xi32, #tpu.memory_space<vmem>>
        %dma_wait3A_31 = tpu.memref_squeeze %dma_wait3A_30 : memref<1x128xi32, #tpu.memory_space<vmem>> -> memref<128xi32, #tpu.memory_space<vmem>>
        %dma_wait3A_32 = arith.constant 0 : i32
        %dma_wait3A_33 = tpu.memref_slice %arg7[%dma_wait3A_32] : memref<10240xf32, #tpu.memory_space<vmem_shared>> -> memref<10240xf32, #tpu.memory_space<vmem_shared>>
        tpu.wait_indirect_dma semaphore(%run_scoped3A : memref<!tpu.dma_semaphore, #tpu.memory_space<semaphore_mem>>) src(%arg5 : memref<128xf32, #tpu.memory_space<vmem>>) dst(%dma_wait3A_33 : memref<10240xf32, #tpu.memory_space<vmem_shared>>)
        tpu.yield
      }) : () -> ()
    }
    %scan3A_19 = arith.constant 79 : i32
    %barrier3A_20 = arith.constant 0 : index
    tpu.barrier barrier_id(%barrier3A_20)
    %mul3A_21 = arith.constant 640 : i32
    %mul3A_22 = arith.muli %arg1, %mul3A_21 : i32
    %mul3A_23 = arith.constant 640 : i32
    %mul3A_24 = arith.muli %arg1, %mul3A_23 : i32
    "tpu.region"() ({
      %run_scoped3A = tpu.sem_alloc : memref<!tpu.dma_semaphore, #tpu.memory_space<semaphore_mem>>
      %dma_start3A = tpu.memref_slice %arg3[%arg0, %mul3A_24] : memref<2x10240xf32, #tpu.memory_space<hbm>> -> memref<1x640xf32, #tpu.memory_space<hbm>>
      %dma_start3A_25 = tpu.memref_squeeze %dma_start3A : memref<1x640xf32, #tpu.memory_space<hbm>> -> memref<640xf32, #tpu.memory_space<hbm>>
      %dma_start3A_26 = tpu.memref_slice %arg7[%mul3A_22] : memref<10240xf32, #tpu.memory_space<vmem_shared>> -> memref<640xf32, #tpu.memory_space<vmem_shared>>
      tpu.enqueue_dma source(%dma_start3A_26 : memref<640xf32, #tpu.memory_space<vmem_shared>>) target(%dma_start3A_25 : memref<640xf32, #tpu.memory_space<hbm>>) target_semaphore(%run_scoped3A : memref<!tpu.dma_semaphore, #tpu.memory_space<semaphore_mem>>)
      %dma_wait3A = tpu.memref_slice %arg3[%arg0, %mul3A_24] : memref<2x10240xf32, #tpu.memory_space<hbm>> -> memref<1x640xf32, #tpu.memory_space<hbm>>
      %dma_wait3A_27 = tpu.memref_squeeze %dma_wait3A : memref<1x640xf32, #tpu.memory_space<hbm>> -> memref<640xf32, #tpu.memory_space<hbm>>
      %dma_wait3A_28 = tpu.memref_slice %arg7[%mul3A_22] : memref<10240xf32, #tpu.memory_space<vmem_shared>> -> memref<640xf32, #tpu.memory_space<vmem_shared>>
      tpu.wait_dma2 semaphore(%run_scoped3A : memref<!tpu.dma_semaphore, #tpu.memory_space<semaphore_mem>>) src(%dma_wait3A_28 : memref<640xf32, #tpu.memory_space<vmem_shared>>) dst(%dma_wait3A_27 : memref<640xf32, #tpu.memory_space<hbm>>)
      tpu.yield
    }) : () -> ()
    return
  }
}

module attributes {stable_mosaic.version = 14 : i64} {
  func.func @_prep_body(%arg0: memref<2x10240xf32, #tpu.memory_space<vmem>>, %arg1: memref<1x10240xf32, #tpu.memory_space<vmem>>) attributes {dimension_semantics = [], scalar_prefetch = 0 : i64, scratch_operands = 0 : i64, tpu.core_type = #tpu.core_type<tc>} {
    %get3A = arith.constant 0 : index
    %get3A_0 = arith.constant 0 : index
    %get3A_1 = vector.load %arg0[%get3A, %get3A_0] : memref<2x10240xf32, #tpu.memory_space<vmem>>, vector<1x10240xf32>
    %get3A_2 = arith.constant 1 : index
    %get3A_3 = arith.constant 0 : index
    %get3A_4 = vector.load %arg0[%get3A_2, %get3A_3] : memref<2x10240xf32, #tpu.memory_space<vmem>>, vector<1x10240xf32>
    %add3A = arith.addf %get3A_1, %get3A_4 : vector<1x10240xf32>
    %add3A_5 = arith.constant 1.000000e+00 : f32
    %add3A_6 = vector.broadcast %add3A_5 : f32 to vector<1x10240xf32>
    %add3A_7 = arith.addf %add3A, %add3A_6 : vector<1x10240xf32>
    %rsqrt3A = math.rsqrt %add3A_7 : vector<1x10240xf32>
    %swap3A = arith.constant 0 : index
    %swap3A_8 = arith.constant 0 : index
    %swap3A_9 = vector.load %arg1[%swap3A, %swap3A_8] : memref<1x10240xf32, #tpu.memory_space<vmem>>, vector<1x10240xf32>
    tpu.vector_store %arg1[%swap3A, %swap3A_8], %rsqrt3A {strides = array<i32>} : memref<1x10240xf32, #tpu.memory_space<vmem>>, vector<1x10240xf32>,
    return
  }
}

module attributes {stable_mosaic.version = 14 : i64} {
  func.func @_tc1_body(%arg0: i32, %arg1: memref<1000x128xf32, #tpu.memory_space<vmem>>, %arg2: memref<1000x1xf32, #tpu.memory_space<vmem>>, %arg3: memref<1x128xf32, #tpu.memory_space<vmem>>, %arg4: memref<1x128xf32, #tpu.memory_space<vmem>>, %arg5: memref<128x128xf32, #tpu.memory_space<vmem>>, %arg6: memref<1x128xf32, #tpu.memory_space<vmem>>, %arg7: memref<1000x128xf32, #tpu.memory_space<vmem>>) attributes {dimension_semantics = [#tpu.dimension_semantics<arbitrary>], iteration_bounds = array<i64: 10>, scalar_prefetch = 0 : i64, scratch_operands = 0 : i64, tpu.core_type = #tpu.core_type<tc>, window_params = [{transform_indices = @transform_0, window_bounds = array<i64: 1000, 128>}, {transform_indices = @transform_1, window_bounds = array<i64: 1000, 1>}, {pipeline_mode = #tpu.pipeline_mode<synchronous>, transform_indices = @transform_2, window_bounds = array<i64: 1, 128>}, {pipeline_mode = #tpu.pipeline_mode<synchronous>, transform_indices = @transform_3, window_bounds = array<i64: 1, 128>}, {pipeline_mode = #tpu.pipeline_mode<synchronous>, transform_indices = @transform_4, window_bounds = array<i64: 128, 128>}, {pipeline_mode = #tpu.pipeline_mode<synchronous>, transform_indices = @transform_5, window_bounds = array<i64: 1, 128>}, {transform_indices = @transform_6, window_bounds = array<i64: 1000, 128>}]} {
    %get3A = arith.constant 0 : index
    %get3A_0 = arith.constant 0 : index
    %get3A_1 = vector.load %arg1[%get3A, %get3A_0] : memref<1000x128xf32, #tpu.memory_space<vmem>>, vector<1000x128xf32>
    %reduce_sum3A = arith.constant dense<0.000000e+00> : vector<1000xf32>
    %reduce_sum3A_2 = vector.multi_reduction <add>, %get3A_1, %reduce_sum3A [1] : vector<1000x128xf32> to vector<1000xf32>
    %broadcast_in_dim3A = vector.shape_cast %reduce_sum3A_2 : vector<1000xf32> to vector<1000x1xf32>
    %div3A = arith.constant 1.280000e+02 : f32
    %div3A_3 = vector.broadcast %div3A : f32 to vector<1000x1xf32>
    %div3A_4 = arith.divf %broadcast_in_dim3A, %div3A_3 : vector<1000x1xf32>
    %sub3A = vector.broadcast %div3A_4 : vector<1000x1xf32> to vector<1000x128xf32>
    %sub3A_5 = arith.subf %get3A_1, %sub3A : vector<1000x128xf32>
    %mul3A = arith.mulf %sub3A_5, %sub3A_5 : vector<1000x128xf32>
    %reduce_sum3A_6 = arith.constant dense<0.000000e+00> : vector<1000xf32>
    %reduce_sum3A_7 = vector.multi_reduction <add>, %mul3A, %reduce_sum3A_6 [1] : vector<1000x128xf32> to vector<1000xf32>
    %broadcast_in_dim3A_8 = vector.shape_cast %reduce_sum3A_7 : vector<1000xf32> to vector<1000x1xf32>
    %div3A_9 = arith.constant 1.280000e+02 : f32
    %div3A_10 = vector.broadcast %div3A_9 : f32 to vector<1000x1xf32>
    %div3A_11 = arith.divf %broadcast_in_dim3A_8, %div3A_10 : vector<1000x1xf32>
    %add3A = arith.constant 9.99999974E-6 : f32
    %add3A_12 = vector.broadcast %add3A : f32 to vector<1000x1xf32>
    %add3A_13 = arith.addf %div3A_11, %add3A_12 : vector<1000x1xf32>
    %rsqrt3A = math.rsqrt %add3A_13 : vector<1000x1xf32>
    %mul3A_14 = vector.broadcast %rsqrt3A : vector<1000x1xf32> to vector<1000x128xf32>
    %mul3A_15 = arith.mulf %sub3A_5, %mul3A_14 : vector<1000x128xf32>
    %get3A_16 = arith.constant 0 : index
    %get3A_17 = arith.constant 0 : index
    %get3A_18 = vector.load %arg3[%get3A_16, %get3A_17] : memref<1x128xf32, #tpu.memory_space<vmem>>, vector<1x128xf32>
    %mul3A_19 = vector.broadcast %get3A_18 : vector<1x128xf32> to vector<1000x128xf32>
    %mul3A_20 = arith.mulf %mul3A_15, %mul3A_19 : vector<1000x128xf32>
    %get3A_21 = arith.constant 0 : index
    %get3A_22 = arith.constant 0 : index
    %get3A_23 = vector.load %arg4[%get3A_21, %get3A_22] : memref<1x128xf32, #tpu.memory_space<vmem>>, vector<1x128xf32>
    %add3A_24 = vector.broadcast %get3A_23 : vector<1x128xf32> to vector<1000x128xf32>
    %add3A_25 = arith.addf %mul3A_20, %add3A_24 : vector<1000x128xf32>
    %get3A_26 = arith.constant 0 : index
    %get3A_27 = arith.constant 0 : index
    %get3A_28 = vector.load %arg5[%get3A_26, %get3A_27] : memref<128x128xf32, #tpu.memory_space<vmem>>, vector<128x128xf32>
    %dot_general3A = arith.constant dense<0.000000e+00> : vector<1000x128xf32>
    %dot_general3A_29 = tpu.matmul %add3A_25, %get3A_28, %dot_general3A {dimension_numbers = #tpu.dot_dimension_numbers<[1], [0], [0], [1], [0, 0, 1, 1], [], []>, transpose_lhs_hint = false} : vector<1000x128xf32>, vector<128x128xf32>, vector<1000x128xf32> -> vector<1000x128xf32>
    %get3A_30 = arith.constant 0 : index
    %get3A_31 = arith.constant 0 : index
    %get3A_32 = vector.load %arg6[%get3A_30, %get3A_31] : memref<1x128xf32, #tpu.memory_space<vmem>>, vector<1x128xf32>
    %add3A_33 = vector.broadcast %get3A_32 : vector<1x128xf32> to vector<1000x128xf32>
    %add3A_34 = arith.addf %dot_general3A_29, %add3A_33 : vector<1000x128xf32>
    %get3A_35 = arith.constant 0 : index
    %get3A_36 = arith.constant 0 : index
    %get3A_37 = vector.load %arg2[%get3A_35, %get3A_36] : memref<1000x1xf32, #tpu.memory_space<vmem>>, vector<1000x1xf32>
    %mul3A_38 = vector.broadcast %get3A_37 : vector<1000x1xf32> to vector<1000x128xf32>
    %mul3A_39 = arith.mulf %add3A_34, %mul3A_38 : vector<1000x128xf32>
    %swap3A = arith.constant 0 : index
    %swap3A_40 = arith.constant 0 : index
    %swap3A_41 = vector.load %arg7[%swap3A, %swap3A_40] : memref<1000x128xf32, #tpu.memory_space<vmem>>, vector<1000x128xf32>
    tpu.vector_store %arg7[%swap3A, %swap3A_40], %mul3A_39 {strides = array<i32>} : memref<1000x128xf32, #tpu.memory_space<vmem>>, vector<1000x128xf32>,
    return
  }
  func.func @transform_0(%arg0: i32) -> (i32, i32) {
    %c0_i32 = arith.constant 0 : i32
    %c0_i32_0 = arith.constant 0 : i32
    return %arg0, %c0_i32 : i32, i32
  }
  func.func @transform_1(%arg0: i32) -> (i32, i32) {
    %c0_i32 = arith.constant 0 : i32
    %c0_i32_0 = arith.constant 0 : i32
    return %arg0, %c0_i32 : i32, i32
  }
  func.func @transform_2(%arg0: i32) -> (i32, i32) {
    %c0_i32 = arith.constant 0 : i32
    %c0_i32_0 = arith.constant 0 : i32
    %c0_i32_1 = arith.constant 0 : i32
    return %c0_i32, %c0_i32_0 : i32, i32
  }
  func.func @transform_3(%arg0: i32) -> (i32, i32) {
    %c0_i32 = arith.constant 0 : i32
    %c0_i32_0 = arith.constant 0 : i32
    %c0_i32_1 = arith.constant 0 : i32
    return %c0_i32, %c0_i32_0 : i32, i32
  }
  func.func @transform_4(%arg0: i32) -> (i32, i32) {
    %c0_i32 = arith.constant 0 : i32
    %c0_i32_0 = arith.constant 0 : i32
    %c0_i32_1 = arith.constant 0 : i32
    return %c0_i32, %c0_i32_0 : i32, i32
  }
  func.func @transform_5(%arg0: i32) -> (i32, i32) {
    %c0_i32 = arith.constant 0 : i32
    %c0_i32_0 = arith.constant 0 : i32
    %c0_i32_1 = arith.constant 0 : i32
    return %c0_i32, %c0_i32_0 : i32, i32
  }
  func.func @transform_6(%arg0: i32) -> (i32, i32) {
    %c0_i32 = arith.constant 0 : i32
    %c0_i32_0 = arith.constant 0 : i32
    return %arg0, %c0_i32 : i32, i32
  }
}

module attributes {stable_mosaic.version = 14 : i64} {
  func.func @_tc2_body(%arg0: i32, %arg1: memref<2x1000x128xf32, #tpu.memory_space<vmem>>, %arg2: memref<1000x128xf32, #tpu.memory_space<vmem>>, %arg3: memref<1000x1xf32, #tpu.memory_space<vmem>>, %arg4: memref<1x128xf32, #tpu.memory_space<vmem>>, %arg5: memref<1x128xf32, #tpu.memory_space<vmem>>, %arg6: memref<128x128xf32, #tpu.memory_space<vmem>>, %arg7: memref<1x128xf32, #tpu.memory_space<vmem>>, %arg8: memref<1000x128xf32, #tpu.memory_space<vmem>>) attributes {dimension_semantics = [#tpu.dimension_semantics<arbitrary>], iteration_bounds = array<i64: 10>, scalar_prefetch = 0 : i64, scratch_operands = 0 : i64, tpu.core_type = #tpu.core_type<tc>, window_params = [{transform_indices = @transform_0, window_bounds = array<i64: 2, 1000, 128>}, {transform_indices = @transform_1, window_bounds = array<i64: 1000, 128>}, {transform_indices = @transform_2, window_bounds = array<i64: 1000, 1>}, {pipeline_mode = #tpu.pipeline_mode<synchronous>, transform_indices = @transform_3, window_bounds = array<i64: 1, 128>}, {pipeline_mode = #tpu.pipeline_mode<synchronous>, transform_indices = @transform_4, window_bounds = array<i64: 1, 128>}, {pipeline_mode = #tpu.pipeline_mode<synchronous>, transform_indices = @transform_5, window_bounds = array<i64: 128, 128>}, {pipeline_mode = #tpu.pipeline_mode<synchronous>, transform_indices = @transform_6, window_bounds = array<i64: 1, 128>}, {transform_indices = @transform_7, window_bounds = array<i64: 1000, 128>}]} {
    %get3A = arith.constant 0 : index
    %get3A_0 = arith.constant 0 : index
    %get3A_1 = vector.load %arg3[%get3A, %get3A_0] : memref<1000x1xf32, #tpu.memory_space<vmem>>, vector<1000x1xf32>
    %get3A_2 = arith.constant 0 : index
    %get3A_3 = arith.constant 0 : index
    %get3A_4 = arith.constant 0 : index
    %get3A_5 = vector.load %arg1[%get3A_2, %get3A_3, %get3A_4] : memref<2x1000x128xf32, #tpu.memory_space<vmem>>, vector<1x1000x128xf32>
    %get3A_6 = vector.shape_cast %get3A_5 : vector<1x1000x128xf32> to vector<1000x128xf32>
    %get3A_7 = arith.constant 1 : index
    %get3A_8 = arith.constant 0 : index
    %get3A_9 = arith.constant 0 : index
    %get3A_10 = vector.load %arg1[%get3A_7, %get3A_8, %get3A_9] : memref<2x1000x128xf32, #tpu.memory_space<vmem>>, vector<1x1000x128xf32>
    %get3A_11 = vector.shape_cast %get3A_10 : vector<1x1000x128xf32> to vector<1000x128xf32>
    %add3A = arith.addf %get3A_6, %get3A_11 : vector<1000x128xf32>
    %get3A_12 = arith.constant 0 : index
    %get3A_13 = arith.constant 0 : index
    %get3A_14 = vector.load %arg2[%get3A_12, %get3A_13] : memref<1000x128xf32, #tpu.memory_space<vmem>>, vector<1000x128xf32>
    %add3A_15 = arith.addf %add3A, %get3A_14 : vector<1000x128xf32>
    %mul3A = vector.broadcast %get3A_1 : vector<1000x1xf32> to vector<1000x128xf32>
    %mul3A_16 = arith.mulf %add3A_15, %mul3A : vector<1000x128xf32>
    %reduce_sum3A = arith.constant dense<0.000000e+00> : vector<1000xf32>
    %reduce_sum3A_17 = vector.multi_reduction <add>, %mul3A_16, %reduce_sum3A [1] : vector<1000x128xf32> to vector<1000xf32>
    %broadcast_in_dim3A = vector.shape_cast %reduce_sum3A_17 : vector<1000xf32> to vector<1000x1xf32>
    %div3A = arith.constant 1.280000e+02 : f32
    %div3A_18 = vector.broadcast %div3A : f32 to vector<1000x1xf32>
    %div3A_19 = arith.divf %broadcast_in_dim3A, %div3A_18 : vector<1000x1xf32>
    %sub3A = vector.broadcast %div3A_19 : vector<1000x1xf32> to vector<1000x128xf32>
    %sub3A_20 = arith.subf %mul3A_16, %sub3A : vector<1000x128xf32>
    %mul3A_21 = arith.mulf %sub3A_20, %sub3A_20 : vector<1000x128xf32>
    %reduce_sum3A_22 = arith.constant dense<0.000000e+00> : vector<1000xf32>
    %reduce_sum3A_23 = vector.multi_reduction <add>, %mul3A_21, %reduce_sum3A_22 [1] : vector<1000x128xf32> to vector<1000xf32>
    %broadcast_in_dim3A_24 = vector.shape_cast %reduce_sum3A_23 : vector<1000xf32> to vector<1000x1xf32>
    %div3A_25 = arith.constant 1.280000e+02 : f32
    %div3A_26 = vector.broadcast %div3A_25 : f32 to vector<1000x1xf32>
    %div3A_27 = arith.divf %broadcast_in_dim3A_24, %div3A_26 : vector<1000x1xf32>
    %add3A_28 = arith.constant 9.99999974E-6 : f32
    %add3A_29 = vector.broadcast %add3A_28 : f32 to vector<1000x1xf32>
    %add3A_30 = arith.addf %div3A_27, %add3A_29 : vector<1000x1xf32>
    %rsqrt3A = math.rsqrt %add3A_30 : vector<1000x1xf32>
    %mul3A_31 = vector.broadcast %rsqrt3A : vector<1000x1xf32> to vector<1000x128xf32>
    %mul3A_32 = arith.mulf %sub3A_20, %mul3A_31 : vector<1000x128xf32>
    %get3A_33 = arith.constant 0 : index
    %get3A_34 = arith.constant 0 : index
    %get3A_35 = vector.load %arg4[%get3A_33, %get3A_34] : memref<1x128xf32, #tpu.memory_space<vmem>>, vector<1x128xf32>
    %mul3A_36 = vector.broadcast %get3A_35 : vector<1x128xf32> to vector<1000x128xf32>
    %mul3A_37 = arith.mulf %mul3A_32, %mul3A_36 : vector<1000x128xf32>
    %get3A_38 = arith.constant 0 : index
    %get3A_39 = arith.constant 0 : index
    %get3A_40 = vector.load %arg5[%get3A_38, %get3A_39] : memref<1x128xf32, #tpu.memory_space<vmem>>, vector<1x128xf32>
    %add3A_41 = vector.broadcast %get3A_40 : vector<1x128xf32> to vector<1000x128xf32>
    %add3A_42 = arith.addf %mul3A_37, %add3A_41 : vector<1000x128xf32>
    %max3A = arith.constant 0.000000e+00 : f32
    %max3A_43 = vector.broadcast %max3A : f32 to vector<1000x128xf32>
    %max3A_44 = arith.maximumf %add3A_42, %max3A_43 : vector<1000x128xf32>
    %get3A_45 = arith.constant 0 : index
    %get3A_46 = arith.constant 0 : index
    %get3A_47 = vector.load %arg6[%get3A_45, %get3A_46] : memref<128x128xf32, #tpu.memory_space<vmem>>, vector<128x128xf32>
    %dot_general3A = arith.constant dense<0.000000e+00> : vector<1000x128xf32>
    %dot_general3A_48 = tpu.matmul %max3A_44, %get3A_47, %dot_general3A {dimension_numbers = #tpu.dot_dimension_numbers<[1], [0], [0], [1], [0, 0, 1, 1], [], []>, transpose_lhs_hint = false} : vector<1000x128xf32>, vector<128x128xf32>, vector<1000x128xf32> -> vector<1000x128xf32>
    %get3A_49 = arith.constant 0 : index
    %get3A_50 = arith.constant 0 : index
    %get3A_51 = vector.load %arg7[%get3A_49, %get3A_50] : memref<1x128xf32, #tpu.memory_space<vmem>>, vector<1x128xf32>
    %add3A_52 = vector.broadcast %get3A_51 : vector<1x128xf32> to vector<1000x128xf32>
    %add3A_53 = arith.addf %dot_general3A_48, %add3A_52 : vector<1000x128xf32>
    %mul3A_54 = vector.broadcast %get3A_1 : vector<1000x1xf32> to vector<1000x128xf32>
    %mul3A_55 = arith.mulf %add3A_53, %mul3A_54 : vector<1000x128xf32>
    %swap3A = arith.constant 0 : index
    %swap3A_56 = arith.constant 0 : index
    %swap3A_57 = vector.load %arg8[%swap3A, %swap3A_56] : memref<1000x128xf32, #tpu.memory_space<vmem>>, vector<1000x128xf32>
    tpu.vector_store %arg8[%swap3A, %swap3A_56], %mul3A_55 {strides = array<i32>} : memref<1000x128xf32, #tpu.memory_space<vmem>>, vector<1000x128xf32>,
    return
  }
  func.func @transform_0(%arg0: i32) -> (i32, i32, i32) {
    %c0_i32 = arith.constant 0 : i32
    %c0_i32_0 = arith.constant 0 : i32
    %c0_i32_1 = arith.constant 0 : i32
    return %c0_i32, %arg0, %c0_i32_0 : i32, i32, i32
  }
  func.func @transform_1(%arg0: i32) -> (i32, i32) {
    %c0_i32 = arith.constant 0 : i32
    %c0_i32_0 = arith.constant 0 : i32
    return %arg0, %c0_i32 : i32, i32
  }
  func.func @transform_2(%arg0: i32) -> (i32, i32) {
    %c0_i32 = arith.constant 0 : i32
    %c0_i32_0 = arith.constant 0 : i32
    return %arg0, %c0_i32 : i32, i32
  }
  func.func @transform_3(%arg0: i32) -> (i32, i32) {
    %c0_i32 = arith.constant 0 : i32
    %c0_i32_0 = arith.constant 0 : i32
    %c0_i32_1 = arith.constant 0 : i32
    return %c0_i32, %c0_i32_0 : i32, i32
  }
  func.func @transform_4(%arg0: i32) -> (i32, i32) {
    %c0_i32 = arith.constant 0 : i32
    %c0_i32_0 = arith.constant 0 : i32
    %c0_i32_1 = arith.constant 0 : i32
    return %c0_i32, %c0_i32_0 : i32, i32
  }
  func.func @transform_5(%arg0: i32) -> (i32, i32) {
    %c0_i32 = arith.constant 0 : i32
    %c0_i32_0 = arith.constant 0 : i32
    %c0_i32_1 = arith.constant 0 : i32
    return %c0_i32, %c0_i32_0 : i32, i32
  }
  func.func @transform_6(%arg0: i32) -> (i32, i32) {
    %c0_i32 = arith.constant 0 : i32
    %c0_i32_0 = arith.constant 0 : i32
    %c0_i32_1 = arith.constant 0 : i32
    return %c0_i32, %c0_i32_0 : i32, i32
  }
  func.func @transform_7(%arg0: i32) -> (i32, i32) {
    %c0_i32 = arith.constant 0 : i32
    %c0_i32_0 = arith.constant 0 : i32
    return %arg0, %c0_i32 : i32, i32
  }
}

module attributes {stable_mosaic.version = 14 : i64} {
  func.func @_tc3_body(%arg0: i32, %arg1: memref<2x1000x128xf32, #tpu.memory_space<vmem>>, %arg2: memref<1000x128xf32, #tpu.memory_space<vmem>>, %arg3: memref<1000x1xf32, #tpu.memory_space<vmem>>, %arg4: memref<1x128xf32, #tpu.memory_space<vmem>>, %arg5: memref<1x128xf32, #tpu.memory_space<vmem>>, %arg6: memref<1000x1xi32, #tpu.memory_space<vmem>>, %arg7: memref<128x16xf32, #tpu.memory_space<vmem>>, %arg8: memref<1x16xf32, #tpu.memory_space<vmem>>, %arg9: memref<64x16xf32, #tpu.memory_space<vmem>>, %arg10: memref<64x128xf32, #tpu.memory_space<vmem>>) attributes {dimension_semantics = [#tpu.dimension_semantics<arbitrary>], iteration_bounds = array<i64: 10>, scalar_prefetch = 0 : i64, scratch_operands = 1 : i64, tpu.core_type = #tpu.core_type<tc>, window_params = [{transform_indices = @transform_0, window_bounds = array<i64: 2, 1000, 128>}, {transform_indices = @transform_1, window_bounds = array<i64: 1000, 128>}, {transform_indices = @transform_2, window_bounds = array<i64: 1000, 1>}, {pipeline_mode = #tpu.pipeline_mode<synchronous>, transform_indices = @transform_3, window_bounds = array<i64: 1, 128>}, {pipeline_mode = #tpu.pipeline_mode<synchronous>, transform_indices = @transform_4, window_bounds = array<i64: 1, 128>}, {transform_indices = @transform_5, window_bounds = array<i64: 1000, 1>}, {pipeline_mode = #tpu.pipeline_mode<synchronous>, transform_indices = @transform_6, window_bounds = array<i64: 128, 16>}, {pipeline_mode = #tpu.pipeline_mode<synchronous>, transform_indices = @transform_7, window_bounds = array<i64: 1, 16>}, {pipeline_mode = #tpu.pipeline_mode<synchronous>, transform_indices = @transform_8, window_bounds = array<i64: 64, 16>}]} {
    %eq3A = arith.constant 0 : i32
    %eq3A_0 = arith.cmpi eq, %arg0, %eq3A : i32
    %convert_element_type3A = arith.extui %eq3A_0 : i1 to i32
    %cond3A = arith.constant 0 : i32
    %cond3A_1 = arith.cmpi ne, %convert_element_type3A, %cond3A : i32
    scf.if %cond3A_1 {
      %broadcast_in_dim3A_66 = arith.constant 0.000000e+00 : f32
      %broadcast_in_dim3A_67 = vector.broadcast %broadcast_in_dim3A_66 : f32 to vector<64x128xf32>
      %swap3A_68 = arith.constant 0 : index
      %swap3A_69 = arith.constant 0 : index
      %swap3A_70 = vector.load %arg10[%swap3A_68, %swap3A_69] : memref<64x128xf32, #tpu.memory_space<vmem>>, vector<64x128xf32>
      tpu.vector_store %arg10[%swap3A_68, %swap3A_69], %broadcast_in_dim3A_67 {strides = array<i32>} : memref<64x128xf32, #tpu.memory_space<vmem>>, vector<64x128xf32>,
    } else {
    }
    %get3A = arith.constant 0 : index
    %get3A_2 = arith.constant 0 : index
    %get3A_3 = arith.constant 0 : index
    %get3A_4 = vector.load %arg1[%get3A, %get3A_2, %get3A_3] : memref<2x1000x128xf32, #tpu.memory_space<vmem>>, vector<1x1000x128xf32>
    %get3A_5 = vector.shape_cast %get3A_4 : vector<1x1000x128xf32> to vector<1000x128xf32>
    %get3A_6 = arith.constant 1 : index
    %get3A_7 = arith.constant 0 : index
    %get3A_8 = arith.constant 0 : index
    %get3A_9 = vector.load %arg1[%get3A_6, %get3A_7, %get3A_8] : memref<2x1000x128xf32, #tpu.memory_space<vmem>>, vector<1x1000x128xf32>
    %get3A_10 = vector.shape_cast %get3A_9 : vector<1x1000x128xf32> to vector<1000x128xf32>
    %add3A = arith.addf %get3A_5, %get3A_10 : vector<1000x128xf32>
    %get3A_11 = arith.constant 0 : index
    %get3A_12 = arith.constant 0 : index
    %get3A_13 = vector.load %arg2[%get3A_11, %get3A_12] : memref<1000x128xf32, #tpu.memory_space<vmem>>, vector<1000x128xf32>
    %add3A_14 = arith.addf %add3A, %get3A_13 : vector<1000x128xf32>
    %get3A_15 = arith.constant 0 : index
    %get3A_16 = arith.constant 0 : index
    %get3A_17 = vector.load %arg3[%get3A_15, %get3A_16] : memref<1000x1xf32, #tpu.memory_space<vmem>>, vector<1000x1xf32>
    %mul3A = vector.broadcast %get3A_17 : vector<1000x1xf32> to vector<1000x128xf32>
    %mul3A_18 = arith.mulf %add3A_14, %mul3A : vector<1000x128xf32>
    %reduce_sum3A = arith.constant dense<0.000000e+00> : vector<1000xf32>
    %reduce_sum3A_19 = vector.multi_reduction <add>, %mul3A_18, %reduce_sum3A [1] : vector<1000x128xf32> to vector<1000xf32>
    %broadcast_in_dim3A = vector.shape_cast %reduce_sum3A_19 : vector<1000xf32> to vector<1000x1xf32>
    %div3A = arith.constant 1.280000e+02 : f32
    %div3A_20 = vector.broadcast %div3A : f32 to vector<1000x1xf32>
    %div3A_21 = arith.divf %broadcast_in_dim3A, %div3A_20 : vector<1000x1xf32>
    %sub3A = vector.broadcast %div3A_21 : vector<1000x1xf32> to vector<1000x128xf32>
    %sub3A_22 = arith.subf %mul3A_18, %sub3A : vector<1000x128xf32>
    %mul3A_23 = arith.mulf %sub3A_22, %sub3A_22 : vector<1000x128xf32>
    %reduce_sum3A_24 = arith.constant dense<0.000000e+00> : vector<1000xf32>
    %reduce_sum3A_25 = vector.multi_reduction <add>, %mul3A_23, %reduce_sum3A_24 [1] : vector<1000x128xf32> to vector<1000xf32>
    %broadcast_in_dim3A_26 = vector.shape_cast %reduce_sum3A_25 : vector<1000xf32> to vector<1000x1xf32>
    %div3A_27 = arith.constant 1.280000e+02 : f32
    %div3A_28 = vector.broadcast %div3A_27 : f32 to vector<1000x1xf32>
    %div3A_29 = arith.divf %broadcast_in_dim3A_26, %div3A_28 : vector<1000x1xf32>
    %add3A_30 = arith.constant 9.99999974E-6 : f32
    %add3A_31 = vector.broadcast %add3A_30 : f32 to vector<1000x1xf32>
    %add3A_32 = arith.addf %div3A_29, %add3A_31 : vector<1000x1xf32>
    %rsqrt3A = math.rsqrt %add3A_32 : vector<1000x1xf32>
    %mul3A_33 = vector.broadcast %rsqrt3A : vector<1000x1xf32> to vector<1000x128xf32>
    %mul3A_34 = arith.mulf %sub3A_22, %mul3A_33 : vector<1000x128xf32>
    %get3A_35 = arith.constant 0 : index
    %get3A_36 = arith.constant 0 : index
    %get3A_37 = vector.load %arg4[%get3A_35, %get3A_36] : memref<1x128xf32, #tpu.memory_space<vmem>>, vector<1x128xf32>
    %mul3A_38 = vector.broadcast %get3A_37 : vector<1x128xf32> to vector<1000x128xf32>
    %mul3A_39 = arith.mulf %mul3A_34, %mul3A_38 : vector<1000x128xf32>
    %get3A_40 = arith.constant 0 : index
    %get3A_41 = arith.constant 0 : index
    %get3A_42 = vector.load %arg5[%get3A_40, %get3A_41] : memref<1x128xf32, #tpu.memory_space<vmem>>, vector<1x128xf32>
    %add3A_43 = vector.broadcast %get3A_42 : vector<1x128xf32> to vector<1000x128xf32>
    %add3A_44 = arith.addf %mul3A_39, %add3A_43 : vector<1000x128xf32>
    %max3A = arith.constant 0.000000e+00 : f32
    %max3A_45 = vector.broadcast %max3A : f32 to vector<1000x128xf32>
    %max3A_46 = arith.maximumf %add3A_44, %max3A_45 : vector<1000x128xf32>
    %get3A_47 = arith.constant 0 : index
    %get3A_48 = arith.constant 0 : index
    %get3A_49 = vector.load %arg6[%get3A_47, %get3A_48] : memref<1000x1xi32, #tpu.memory_space<vmem>>, vector<1000x1xi32>
    %iota3A = tpu.iota {dimensions = array<i32: 1>} : vector<1000x64xi32>
    %eq3A_50 = vector.broadcast %get3A_49 : vector<1000x1xi32> to vector<1000x64xi32>
    %eq3A_51 = arith.cmpi eq, %eq3A_50, %iota3A : vector<1000x64xi32>
    %get3A_52 = arith.constant 0 : index
    %get3A_53 = arith.constant 0 : index
    %get3A_54 = vector.load %arg10[%get3A_52, %get3A_53] : memref<64x128xf32, #tpu.memory_space<vmem>>, vector<64x128xf32>
    %convert_element_type3A_55 = arith.extui %eq3A_51 : vector<1000x64xi1> to vector<1000x64xi32>
    %convert_element_type3A_56 = arith.sitofp %convert_element_type3A_55 : vector<1000x64xi32> to vector<1000x64xf32>
    %dot_general3A = arith.constant dense<0.000000e+00> : vector<64x128xf32>
    %dot_general3A_57 = tpu.matmul %convert_element_type3A_56, %max3A_46, %dot_general3A {dimension_numbers = #tpu.dot_dimension_numbers<[0], [0], [1], [1], [0, 1, 1, 1], [], []>, transpose_lhs_hint = false} : vector<1000x64xf32>, vector<1000x128xf32>, vector<64x128xf32> -> vector<64x128xf32>
    %add3A_58 = arith.addf %get3A_54, %dot_general3A_57 : vector<64x128xf32>
    %swap3A = arith.constant 0 : index
    %swap3A_59 = arith.constant 0 : index
    %swap3A_60 = vector.load %arg10[%swap3A, %swap3A_59] : memref<64x128xf32, #tpu.memory_space<vmem>>, vector<64x128xf32>
    tpu.vector_store %arg10[%swap3A, %swap3A_59], %add3A_58 {strides = array<i32>} : memref<64x128xf32, #tpu.memory_space<vmem>>, vector<64x128xf32>,
    %eq3A_61 = arith.constant 9 : i32
    %eq3A_62 = arith.cmpi eq, %arg0, %eq3A_61 : i32
    %convert_element_type3A_63 = arith.extui %eq3A_62 : i1 to i32
    %cond3A_64 = arith.constant 0 : i32
    %cond3A_65 = arith.cmpi ne, %convert_element_type3A_63, %cond3A_64 : i32
    scf.if %cond3A_65 {
      %get3A_66 = arith.constant 0 : index
      %get3A_67 = arith.constant 0 : index
      %get3A_68 = vector.load %arg10[%get3A_66, %get3A_67] : memref<64x128xf32, #tpu.memory_space<vmem>>, vector<64x128xf32>
      %get3A_69 = arith.constant 0 : index
      %get3A_70 = arith.constant 0 : index
      %get3A_71 = vector.load %arg7[%get3A_69, %get3A_70] : memref<128x16xf32, #tpu.memory_space<vmem>>, vector<128x16xf32>
      %dot_general3A_72 = arith.constant dense<0.000000e+00> : vector<64x16xf32>
      %dot_general3A_73 = tpu.matmul %get3A_68, %get3A_71, %dot_general3A_72 {dimension_numbers = #tpu.dot_dimension_numbers<[1], [0], [0], [1], [0, 0, 1, 1], [], []>, transpose_lhs_hint = false} : vector<64x128xf32>, vector<128x16xf32>, vector<64x16xf32> -> vector<64x16xf32>
      %get3A_74 = arith.constant 0 : index
      %get3A_75 = arith.constant 0 : index
      %get3A_76 = vector.load %arg8[%get3A_74, %get3A_75] : memref<1x16xf32, #tpu.memory_space<vmem>>, vector<1x16xf32>
      %add3A_77 = vector.broadcast %get3A_76 : vector<1x16xf32> to vector<64x16xf32>
      %add3A_78 = arith.addf %dot_general3A_73, %add3A_77 : vector<64x16xf32>
      %reduce_max3A = arith.constant dense<0xFF800000> : vector<64xf32>
      %reduce_max3A_79 = vector.multi_reduction <maximumf>, %add3A_78, %reduce_max3A [1] : vector<64x16xf32> to vector<64xf32>
      %broadcast_in_dim3A_80 = vector.shape_cast %reduce_max3A_79 : vector<64xf32> to vector<64x1xf32>
      %sub3A_81 = vector.broadcast %broadcast_in_dim3A_80 : vector<64x1xf32> to vector<64x16xf32>
      %sub3A_82 = arith.subf %add3A_78, %sub3A_81 : vector<64x16xf32>
      %exp3A = math.exp %sub3A_82 : vector<64x16xf32>
      %reduce_sum3A_83 = arith.constant dense<0.000000e+00> : vector<64xf32>
      %reduce_sum3A_84 = vector.multi_reduction <add>, %exp3A, %reduce_sum3A_83 [1] : vector<64x16xf32> to vector<64xf32>
      %broadcast_in_dim3A_85 = vector.shape_cast %reduce_sum3A_84 : vector<64xf32> to vector<64x1xf32>
      %log3A = math.log %broadcast_in_dim3A_85 : vector<64x1xf32>
      %sub3A_86 = vector.broadcast %broadcast_in_dim3A_80 : vector<64x1xf32> to vector<64x16xf32>
      %sub3A_87 = arith.subf %add3A_78, %sub3A_86 : vector<64x16xf32>
      %sub3A_88 = vector.broadcast %log3A : vector<64x1xf32> to vector<64x16xf32>
      %sub3A_89 = arith.subf %sub3A_87, %sub3A_88 : vector<64x16xf32>
      %swap3A_90 = arith.constant 0 : index
      %swap3A_91 = arith.constant 0 : index
      %swap3A_92 = vector.load %arg9[%swap3A_90, %swap3A_91] : memref<64x16xf32, #tpu.memory_space<vmem>>, vector<64x16xf32>
      tpu.vector_store %arg9[%swap3A_90, %swap3A_91], %sub3A_89 {strides = array<i32>} : memref<64x16xf32, #tpu.memory_space<vmem>>, vector<64x16xf32>,
    } else {
    }
    return
  }
  func.func @transform_0(%arg0: i32) -> (i32, i32, i32) {
    %c0_i32 = arith.constant 0 : i32
    %c0_i32_0 = arith.constant 0 : i32
    %c0_i32_1 = arith.constant 0 : i32
    return %c0_i32, %arg0, %c0_i32_0 : i32, i32, i32
  }
  func.func @transform_1(%arg0: i32) -> (i32, i32) {
    %c0_i32 = arith.constant 0 : i32
    %c0_i32_0 = arith.constant 0 : i32
    return %arg0, %c0_i32 : i32, i32
  }
  func.func @transform_2(%arg0: i32) -> (i32, i32) {
    %c0_i32 = arith.constant 0 : i32
    %c0_i32_0 = arith.constant 0 : i32
    return %arg0, %c0_i32 : i32, i32
  }
  func.func @transform_3(%arg0: i32) -> (i32, i32) {
    %c0_i32 = arith.constant 0 : i32
    %c0_i32_0 = arith.constant 0 : i32
    %c0_i32_1 = arith.constant 0 : i32
    return %c0_i32, %c0_i32_0 : i32, i32
  }
  func.func @transform_4(%arg0: i32) -> (i32, i32) {
    %c0_i32 = arith.constant 0 : i32
    %c0_i32_0 = arith.constant 0 : i32
    %c0_i32_1 = arith.constant 0 : i32
    return %c0_i32, %c0_i32_0 : i32, i32
  }
  func.func @transform_5(%arg0: i32) -> (i32, i32) {
    %c0_i32 = arith.constant 0 : i32
    %c0_i32_0 = arith.constant 0 : i32
    return %arg0, %c0_i32 : i32, i32
  }
  func.func @transform_6(%arg0: i32) -> (i32, i32) {
    %c0_i32 = arith.constant 0 : i32
    %c0_i32_0 = arith.constant 0 : i32
    %c0_i32_1 = arith.constant 0 : i32
    return %c0_i32, %c0_i32_0 : i32, i32
  }
  func.func @transform_7(%arg0: i32) -> (i32, i32) {
    %c0_i32 = arith.constant 0 : i32
    %c0_i32_0 = arith.constant 0 : i32
    %c0_i32_1 = arith.constant 0 : i32
    return %c0_i32, %c0_i32_0 : i32, i32
  }
  func.func @transform_8(%arg0: i32) -> (i32, i32) {
    %c0_i32 = arith.constant 0 : i32
    %c0_i32_0 = arith.constant 0 : i32
    %c0_i32_1 = arith.constant 0 : i32
    return %c0_i32, %c0_i32_0 : i32, i32
  }
}

</mosaic_0001>

<sc_bundles>
// kernel: kernel.12.cloned.1.call-start
scs
__scs_entry_jumppad:
0x0: {  	(pc) =	sbr.rel $0x88, $3  }
0x1: {  	(tag) =	ssettag $0x0;
	lr =	simm.s32 $0x1  }
0x2: {  	[smem:$0x3F92] =	sst lr;
	_ =	strace $0xD0000000  }
0x3: {  	_ = 	snop  }
0x4: {  	_ = 	snop  }
0x5: {  	_ = 	snop  }
0x6: {  	_ = 	snop  }
0x7: {  	_ = 	snop  }
__scs_overlays_trampoline_lowered:
0x8: {  	[smem:$0x3FA1] =	sst s0  }
0x9: {  	[smem:$0x3FA2] =	sst s1  }
0xa: {  	[smem:$0x3FA3] =	sst s2  }
0xb: {  	[smem:$0x3FA4] =	sst s3  }
0xc: {  	[smem:$0x3FA5] =	sst s4  }
0xd: {  	[smem:$0x3FA6] =	sst s5  }
0xe: {  	[smem:$0x3FA7] =	sst s6  }
0xf: {  	[smem:$0x3FA8] =	sst s7  }
0x10: {  	[smem:$0x3FA9] =	sst s8  }
0x11: {  	[smem:$0x3FAA] =	sst s9;
	s0 =	simm.s32 @!p0 $0x0  }
0x12: {  	s1 =	sld [smem:$0x3F90];
	s0 =	simm.s32 @p0 $0x1  }
0x13: {  	[smem:$0x3FAB] =	sst s0;
	s0 =	simm.s32 @!p1 $0x0  }
0x14: {  	s2 =	sld [smem:$0x3F8F];
	s0 =	simm.s32 @p1 $0x1  }
0x15: {  	[smem:$0x3FAC] =	sst s0;
	s0 =	simm.s32 @!p2 $0x0  }
0x16: {  	s3 =	sld [smem:$0x3FDB];
	s0 =	simm.s32 @p2 $0x1  }
0x17: {  	s4 =	simm.s32 $0x1BF5;
	[smem:$0x3FAE] =	sst s0  }
0x18: {  	s0 =	sld [smem:$0x3F91];
	_ =	swait.ge [sflag:s4], $0x0  }
0x19: {  	s7 =	sld [smem:$0x3F92]  }
0x1a: {  	s8 =	sadd.s32 $0xFFFFE003, lr  }
0x1b: {  	s9 =	sadd.s32 $0xFFFFFEF7, lr;
	s5 =	simm.s32 $0xFFFFFFFF;
	p2 =	slt.u32 s8, $0xFFFFF086  }
0x1c: {  	p1 =	slt.u32 s9, $0xF7A;
	s5 =	simm.s32 @!p2 $0x0  }
0x1d: {  	s5 =	simm.s32 @p1 $0x1;
	p0 =	seq.s32 s7, s2  }
0x1e: {  	s7 =	smul.u32 @!p0 $0xF7A, s2;
	p2 =	seq.s32 @!p0 s5, $0x0  }
0x1f: {  	s9 =	smul.u32 $0xF7A, s1;
	s8 =	simm.s32 @!p0 $0x1BF5;
	p2 =	por !p2, p0  }
0x20: {  	[sflag:s8] =	ssyncset.s32 @!p0 $0xFFFFF086;
	s6 =	sadd.s32 @!p0 s3, s7;
	s7 =	simm.s32 @!p0 $0x108  }
0x21: {  	s3 =	sadd.s32 s3, s9;
	s6 =	sadd.s32 @!p0 $0x88, s6;
	s7 =	simm.s32 @p2 $0x1082  }
0x22: {  	[simem:s7], [sflag:s8] =	dma.local @!p0 [hbm:s6], $0xF7A  }
0x23: {  	s9 =	sor.u32 $0xD0000000, s2;
	s6 =	simm.s32 $0x108;
	_ =	swait.ge @!p0 [sflag:s8], $0x0  }
0x24: {  	s3 =	sadd.s32 $0x88, s3;
	s6 =	simm.s32 @!p1 $0x1082;
	[sflag:s4] =	ssyncset.s32 $0xFFFFF086  }
0x25: {  	[simem:s6], [sflag:s4] =	dma.local [hbm:s3], $0xF7A  }
0x26: {  	[smem:$0x3F92] =	sst s1;
	(tag) =	ssettag s2;
	_ =	strace s9  }
0x27: {  	s1 =	sld [smem:$0x3FA2]  }
0x28: {  	s2 =	sld [smem:$0x3FA3]  }
0x29: {  	s4 =	sld [smem:$0x3FA5]  }
0x2a: {  	p0 =	seq.s32 s5, $0x0;
	s5 =	sld [smem:$0x3FA6]  }
0x2b: {  	s6 =	sld [smem:$0x3FA7]  }
0x2c: {  	s7 =	sld [smem:$0x3FA8]  }
0x2d: {  	s3 =	simm.s32 $0x108;
	s8 =	sld [smem:$0x3FA9]  }
0x2e: {  	s3 =	simm.s32 @!p0 $0x1082;
	s9 =	sld [smem:$0x3FAA]  }
0x2f: {  	lr =	sadd.s32 s0, s3;
	s0 =	sld [smem:$0x3FA1]  }
0x30: {  	s3 =	sld [smem:$0x3FA4]  }
0x31: {  	[smem:$0x3FAD] =	sst s10  }
0x32: {  	s10 =	sld [smem:$0x3FAB];
	_ =	sdelay $0x3  }
0x33: {  	p0 =	seq.s32 s10, $0x1;
	s10 =	sld [smem:$0x3FAD];
	_ =	sdelay $0x3  }
0x34: {  	[smem:$0x3FAD] =	sst s10  }
0x35: {  	s10 =	sld [smem:$0x3FAC];
	_ =	sdelay $0x3  }
0x36: {  	p1 =	seq.s32 s10, $0x1;
	s10 =	sld [smem:$0x3FAD];
	_ =	sdelay $0x3  }
0x37: {  	[smem:$0x3FAD] =	sst s10  }
0x38: {  	s10 =	sld [smem:$0x3FAE]  }
0x39: {  	_ = 	snop;
	(pc) =	sbr.ind lr, $3  }
0x3a: {  	_ = 	snop  }
0x3b: {  	_ = 	snop  }
0x3c: {  	p2 =	seq.s32 s10, $0x1;
	s10 =	sld [smem:$0x3FAD]  }
0x3d: {  	_ =	shalt  }
0x3e: {  	_ =	shalt  }
0x3f: {  	_ =	shalt  }
0x40: {  	_ =	shalt  }
0x41: {  	_ =	shalt  }
0x42: {  	_ =	shalt  }
0x43: {  	_ =	shalt  }
0x44: {  	_ =	shalt  }
0x45: {  	_ =	shalt  }
0x46: {  	_ =	shalt  }
0x47: {  	_ =	shalt  }
0x48: {  	_ =	shalt  }
0x49: {  	_ =	shalt  }
0x4a: {  	_ =	shalt  }
0x4b: {  	_ =	shalt  }
0x4c: {  	_ =	shalt  }
0x4d: {  	_ =	shalt  }
0x4e: {  	_ =	shalt  }
0x4f: {  	_ =	shalt  }
0x50: {  	_ =	shalt  }
0x51: {  	_ =	shalt  }
0x52: {  	_ =	shalt  }
0x53: {  	_ =	shalt  }
0x54: {  	_ =	shalt  }
0x55: {  	_ =	shalt  }
0x56: {  	_ =	shalt  }
0x57: {  	_ =	shalt  }
0x58: {  	_ =	shalt  }
0x59: {  	_ =	shalt  }
0x5a: {  	_ =	shalt  }
0x5b: {  	_ =	shalt  }
0x5c: {  	_ =	shalt  }
0x5d: {  	_ =	shalt  }
0x5e: {  	_ =	shalt  }
0x5f: {  	_ =	shalt  }
0x60: {  	_ =	shalt  }
0x61: {  	_ =	shalt  }
0x62: {  	_ =	shalt  }
0x63: {  	_ =	shalt  }
0x64: {  	_ =	shalt  }
0x65: {  	_ =	shalt  }
0x66: {  	_ =	shalt  }
0x67: {  	_ =	shalt  }
0x68: {  	_ =	shalt  }
0x69: {  	_ =	shalt  }
0x6a: {  	_ =	shalt  }
0x6b: {  	_ =	shalt  }
0x6c: {  	_ =	shalt  }
0x6d: {  	_ =	shalt  }
0x6e: {  	_ =	shalt  }
0x6f: {  	_ =	shalt  }
0x70: {  	_ =	shalt  }
0x71: {  	_ =	shalt  }
0x72: {  	_ =	shalt  }
0x73: {  	_ =	shalt  }
0x74: {  	_ =	shalt  }
0x75: {  	_ =	shalt  }
0x76: {  	_ =	shalt  }
0x77: {  	_ =	shalt  }
0x78: {  	_ =	shalt  }
0x79: {  	_ =	shalt  }
0x7a: {  	_ =	shalt  }
0x7b: {  	_ =	shalt  }
0x7c: {  	_ =	shalt  }
0x7d: {  	_ =	shalt  }
0x7e: {  	_ =	shalt  }
0x7f: {  	_ =	shalt  }
0x80: {  	_ =	shalt  }
0x81: {  	_ =	shalt  }
0x82: {  	_ =	shalt  }
0x83: {  	_ =	shalt  }
0x84: {  	_ =	shalt  }
0x85: {  	_ =	shalt  }
0x86: {  	_ =	shalt  }
0x87: {  	_ =	shalt  }
.Lfunc_end0:
.L_simem_size_0:
called_computation.1_lowered:
.L_overlay_start_0:
0x88: {  	s2 =	sld [smem:$0x3FD9]  }
0x89: {  	s3 =	sld [smem:$0x3FFE];
	_ =	sdelay $0x1  }
0x8a: {  	s1 =	srdreg.scid  }
0x8b: {  	s0 =	sand.u32 $0x1, s1  }
0x8c: {  	s16 =	sshll.u32 s0, $0xA;
	s2 =	sadd.s32 s3, s2  }
0x8d: {  	s2 =	sadd.s32 s2, s16  }
0x8e: {  	[smem:$0x3FB9] =	sst s2  }
0x8f: {  	_ = 	snop  }
0x90: {  	(tm) =	ssettm $0x1  }
0x91: {  	s17 =	sld [smem:$0x3FFB];
	_ =	sdelay $0x3  }
0x92: {  	_ =	strace s17  }
0x93: {  	s2 =	sld [smem:$0x3FFC];
	_ =	sdelay $0x3  }
0x94: {  	_ =	strace s2  }
0x95: {  	s2 =	sld [smem:$0x3FFD];
	_ =	sdelay $0x3  }
0x96: {  	_ =	strace s2  }
0x97: {  	_ =	strace $0x8FFFFFFF  }
0x98: {  	s18 =	sld [smem:$0x3FDB];
	_ =	sdelay $0x1  }
0x99: {  	s19 =	simm.s32 $_scs_section_size  }
0x9a: {  	s4 =	simm.s32 $_size__tile_overlayer_lowered;
	s5 =	simm.s32 $_tile_overlayer_lowered  }
0x9b: {  	s22 =	simm.s32 $0x1BFF;
	s21 =	sshll.u32 s5, $0x1;
	s2 =	sadd.s32 s19, s18  }
0x9c: {  	s6 =	simm.s32 $0x0;
	s20 =	sshll.u32 s4, $0x1;
	s4 =	sadd.s32 s21, s2  }
0x9d: {  	[timem:s6], [sflag:s22] =	dma.local [hbm:s4], s20  }
0x9e: {  	_ =	swait.ge [sflag:s22], s20  }
0x9f: {  	s3 =	ssub.s32 $0x0, s20;
	[sflag:s22] =	ssyncset.done $0x0  }
0xa0: {  	[sflag:s22] =	ssyncadd.s32 s3;
	_ =	sdelay $0x1  }
0xa1: {  	s23 =	simm.s32 $0x1B8B  }
0xa2: {  	_ =	swait.ge [sflag:s23], $0x1  }
0xa3: {  	[sflag:s23] =	ssyncset.done $0x0  }
0xa4: {  	s25 =	simm.s32 $0x1B8E;
	s24 =	sld [smem:$0x3FFE];
	[sflag:s23] =	ssyncadd.s32 $0xFFFFFFFF  }
0xa5: {  	s26 =	simm.s32 $execute0_lowered;
	[smem:$0x3FD2] =	sst s25  }
0xa6: {  	s4 =	sshll.u32 s26, $0x1;
	_ =	strace $0x80000049;
	[dreg:$0x1] =	wrdreg $0xFFFFFFFF  }
0xa7: {  	s28 =	simm.s32 $_size_execute0_lowered;
	s2 =	sadd.s32 s2, s4;
	[dreg:$0x0] =	wrdreg $0x0  }
0xa8: {  	s4 =	sshll.u32 s28, $0x1;
	[dreg:$0x2] =	wrdreg s2  }
0xa9: {  	[dreg:$0x3] =	wrdreg s4  }
0xaa: {  	[dreg:$0x4] =	wrdreg $0xC0  }
0xab: {  	_ =	task [dreg:s6], $0x5FFFF  }
0xac: {  	[dreg:$0x1] =	wrdreg $0xFFFFFFFF  }
0xad: {  	[dreg:$0x0] =	wrdreg $0x60  }
0xae: {  	[dreg:$0x2] =	wrdreg s24  }
0xaf: {  	[dreg:$0x3] =	wrdreg $0xB8000  }
0xb0: {  	[dreg:$0x4] =	wrdreg $0x9  }
0xb1: {  	_ =	task.clear_ibuf [dreg:s6], $0x5FFFF;
	_ =	strace $0x90000049  }
0xb2: {  	s29 =	simm.s32 $0x9;
	_ =	strace $0x8000004B  }
0xb3: {  	_ =	swait.ge [sflag:s29], $0x1  }
0xb4: {  	[sflag:s29] =	ssyncadd.s32 $0xFFFFFFFF  }
0xb5: {  	_ =	strace $0x9000004B  }
0xb6: {  	_ =	sfence  }
0xb7: {  	s30 =	sld [smem:$0x0];
	_ =	sdelay $0x2  }
0xb8: {  	s31 =	sshll.u32 s1, $0xD;
	s1 =	sshrl.u32 s1, $0x2  }
0xb9: {  	s3 =	sand.u32 $0x4000, s31;
	s1 =	sadd.s32 s1, s30  }
0xba: {  	s0 =	sor.u32 s3, s0;
	s1 =	sshll.u32 s1, $0x11  }
0xbb: {  	s0 =	sor.u32 s1, s0  }
0xbc: {  	s0 =	sadd.s32 $0x8F2B, s0  }
0xbd: {  	[sflag:s0] =	ssyncadd.remote.s32 $0x1  }
0xbe: {  	_ =	sfence.sel $0xFFFF  }
0xbf: {  	[dreg:$0x0] =	wrdreg $0xFFFFFFFF;
	(pc) =	sbr.abs _section_cstart, $3  }
0xc0: {  	[dreg:$0x1] =	wrdreg $0xFFFFFFFF  }
0xc1: {  	_ =	task.clear_ibuf [dreg:s6], $0x2FFFF;
	_ =	strace $0x9FFFFFFF  }
0xc2: {  	(tm) =	ssettm $0x7FFFFFFF  }
0xc3: {  	_ =	shalt  }
tec
execute0_lowered:
.L_overlay_start_1:
0x0: {  	(tag) =	ssettag $0x1  }
0x1: {  	s0 =	srdreg.scid;
	s5 =	rddreg [dreg:$0x0]  }
0x2: {  	s2 =	rddreg [dreg:$0x1];
	s1 =	stileid.u32  }
0x3: {  	s3 =	simm.s32 $0x0;
	s18 =	simm.s32 $0x9000;
	s19 =	simm.s32 $0x2  }
0x4: {  	s20 =	simm.s32 $0x2800;
	s21 =	simm.s32 $0x80;
	s22 =	simm.s32 $0x5000  }
0x5: {  	s4 =	sand.u32 $0x1, s0;
	s0 =	rddreg [dreg:$0x2];
	s9 =	smul.u32 $0x13800, s1  }
0x6: {  	s23 =	simm.s32 $0x1;
	[smem:$0x7FF] =	sst s3;
	s30 =	smul.u32 $0x4E000, s1  }
0x7: {  	s10 =	sadd.s32 $0x3EC00, s5;
	s12 =	smul.u32 $0x50000, s1;
	s25 =	sadd.s32 $0x138000, s2  }
0x8: {  	p0 =	sne.s32 s1, $0xF;
	s6 =	sshll.u32 s4, $0x4;
	_ =	strace $0x8000004A  }
0x9: {  	s8 =	smul.u32 $0x138800, s4;
	s7 =	ssub.s32 $0x2, s4;
	s4 =	sadd.s32 $0x17A00, s5  }
0xa: {  	s25 =	sshrl.u32 @!p0 s25, $0x3;
	s6 =	sor.u32 s1, s6;
	s28 =	sshrl.u32 s7, $0x1  }
0xb: {  	s31 =	sshrl.u32 s12, $0x2;
	s6 =	smul.u32 $0x500, s6;
	s11 =	ssub.s32 s7, s28  }
0xc: {  	s29 =	sadd.s32 s9, s8;
	s8 =	sshrl.u32 s8, $0x3;
	s9 =	sshrl.u32 s30, $0x2  }
0xd: {  	s7 =	sshrl.u32 s29, $0x3;
	s8 =	sadd.s32 s10, s8;
	s24 =	sadd.s32 s9, s2  }
0xe: {  	s9 =	sadd.s32 s31, s2;
	s6 =	sadd.s32 s6, s5;
	s7 =	sadd.s32 s10, s7  }
0xf: {  	s8 =	sadd.s32 $0x27000, s8;
	s10 =	smax.u32 s11, $0x1;
	s11 =	sadd.s32 $0x2800, s9  }
0x10: {  	s12 =	sadd.s32 $0x5000, s9;
	s13 =	sadd.s32 $0x7800, s9;
	s14 =	sadd.s32 $0xA000, s9  }
0x11: {  	s15 =	sadd.s32 $0xC800, s9;
	s16 =	sadd.s32 $0xF000, s9;
	s17 =	sadd.s32 $0x11800, s9  }
0x12: {  	v0 =	vimm.f32 $0.0e+00;
	s24 =	sshrl.u32 s24, $0x3;
	s5 =	sadd.s32 $0xDA00, s6;
	s6 =	sadd.s32 $0x3000, s6  }
.LBB2_1:
0x13: {  	s26 =	simm.s32 $0x0;
	s28 =	simm.s32 $0x200  }
.LBB2_2:
0x14: {  	p1 =	sne.s32 s28, $0x9E00;
	[tilespmem:s26+$0x9070] =	vst v0  }
0x15: {  	[tilespmem:s26+$0x9000] =	vst v0  }
0x16: {  	[tilespmem:s26+$0x9010] =	vst v0  }
.Ltmp0:
0x17: {  	[tilespmem:s26+$0x9020] =	vst v0;
	(pc) =	sbr.rel @p1 .LBB2_2-.Ltmp0, $4  }
0x18: {  	[tilespmem:s26+$0x9030] =	vst v0  }
0x19: {  	[tilespmem:s26+$0x9040] =	vst v0  }
0x1a: {  	[tilespmem:s26+$0x9050] =	vst v0  }
0x1b: {  	[tilespmem:s26+$0x9060] =	vst v0;
	s26 =	sshra.s32 s28, $0x2;
	s28 =	sadd.s32 $0x200, s28  }
0x1c: {  	[tilespmem:s26+$0x9070] =	vst v0  }
0x1d: {  	[tilespmem:s26+$0x9000] =	vst v0  }
0x1e: {  	[tilespmem:s26+$0x9010] =	vst v0  }
0x1f: {  	[tilespmem:s26+$0x9020] =	vst v0  }
0x20: {  	[tilespmem:s26+$0x9030] =	vst v0  }
0x21: {  	[tilespmem:s26+$0x9040] =	vst v0  }
0x22: {  	[tilespmem:s26+$0x9050] =	vst v0  }
0x23: {  	[tilespmem:s26+$0x9060] =	vst v0  }
0x24: {  	[spmem:s9] =	stream.linear.scatter [tilespmem:s18], [sflag:$0x2], $0x2800, $0x38;
	[tilespmem:$0x1F800] =	vst v63  }
0x25: {  	_ =	swait.ge [sflag:s19], $0x2800  }
0x26: {  	[sflag:s19] =	ssyncset.done $0x0  }
0x27: {  	[sflag:s19] =	ssyncadd.s32 $0xFFFFD800  }
0x28: {  	[spmem:s11] =	stream.linear.scatter [tilespmem:s18], [sflag:$0x2], $0x2800, $0x38;
	[tilespmem:$0x1F800] =	vst v63  }
0x29: {  	_ =	swait.ge [sflag:s19], $0x2800  }
0x2a: {  	[sflag:s19] =	ssyncset.done $0x0  }
0x2b: {  	[sflag:s19] =	ssyncadd.s32 $0xFFFFD800  }
0x2c: {  	[spmem:s12] =	stream.linear.scatter [tilespmem:s18], [sflag:$0x2], $0x2800, $0x38;
	[tilespmem:$0x1F800] =	vst v63  }
0x2d: {  	_ =	swait.ge [sflag:s19], $0x2800  }
0x2e: {  	[sflag:s19] =	ssyncset.done $0x0  }
0x2f: {  	[sflag:s19] =	ssyncadd.s32 $0xFFFFD800  }
0x30: {  	[spmem:s13] =	stream.linear.scatter [tilespmem:s18], [sflag:$0x2], $0x2800, $0x38;
	[tilespmem:$0x1F800] =	vst v63  }
0x31: {  	_ =	swait.ge [sflag:s19], $0x2800  }
0x32: {  	[sflag:s19] =	ssyncset.done $0x0  }
0x33: {  	[sflag:s19] =	ssyncadd.s32 $0xFFFFD800  }
0x34: {  	[spmem:s14] =	stream.linear.scatter [tilespmem:s18], [sflag:$0x2], $0x2800, $0x38;
	[tilespmem:$0x1F800] =	vst v63  }
0x35: {  	_ =	swait.ge [sflag:s19], $0x2800  }
0x36: {  	[sflag:s19] =	ssyncset.done $0x0  }
0x37: {  	[sflag:s19] =	ssyncadd.s32 $0xFFFFD800  }
0x38: {  	[spmem:s15] =	stream.linear.scatter [tilespmem:s18], [sflag:$0x2], $0x2800, $0x38;
	[tilespmem:$0x1F800] =	vst v63  }
0x39: {  	_ =	swait.ge [sflag:s19], $0x2800  }
0x3a: {  	[sflag:s19] =	ssyncset.done $0x0  }
0x3b: {  	[sflag:s19] =	ssyncadd.s32 $0xFFFFD800  }
0x3c: {  	[spmem:s16] =	stream.linear.scatter [tilespmem:s18], [sflag:$0x2], $0x2800, $0x38;
	[tilespmem:$0x1F800] =	vst v63  }
0x3d: {  	_ =	swait.ge [sflag:s19], $0x2800  }
0x3e: {  	[sflag:s19] =	ssyncset.done $0x0  }
0x3f: {  	[sflag:s19] =	ssyncadd.s32 $0xFFFFD800  }
0x40: {  	[spmem:s17] =	stream.linear.scatter [tilespmem:s18], [sflag:$0x2], $0x2800, $0x38;
	[tilespmem:$0x1F800] =	vst v63  }
0x41: {  	_ =	swait.ge [sflag:s19], $0x2800  }
0x42: {  	[sflag:s19] =	ssyncset.done $0x0  }
0x43: {  	s29 =	simm.s32 $0x0;
	[sflag:s19] =	ssyncadd.s32 $0xFFFFD800  }
0x44: {  	[tilespmem:s29], [sflag:$0x2] =	stream.linear.gather [hbm4b:s5+s29], $0x2780, $0x38;
	[tilespmem:$0x1F800] =	vst v63  }
0x45: {  	_ =	swait.ge [sflag:s19], $0x2780  }
0x46: {  	[sflag:s19] =	ssyncset.done $0x0  }
0x47: {  	[sflag:s19] =	ssyncadd.s32 $0xFFFFD880  }
0x48: {  	[tilespmem:s20], [sflag:$0x2] =	stream.linear.gather [hbm4b:s6+s29], $0x2780, $0x38;
	[tilespmem:$0x1F800] =	vst v63  }
0x49: {  	_ =	swait.ge [sflag:s19], $0x2780  }
0x4a: {  	[sflag:s19] =	ssyncset.done $0x0  }
0x4b: {  	[sflag:s19] =	ssyncadd.s32 $0xFFFFD880  }
0x4c: {  	s30 =	simm.s32 $0x0;
	[bflag:$0x0] =	sbarrier.arrive $0xFFFF  }
0x4d: {  	[tilespmem:s22], [sflag:$0x1] =	stream.indirect.gather [hbm4b:s4+s21], $0x80, s30, s21, $0xb8;
	[tilespmem:$0x1F800] =	vst v63  }
0x4e: {  	_ =	swait.ge [sflag:s23], $0x4000  }
0x4f: {  	[sflag:s23] =	ssyncset.done $0x0  }
0x50: {  	s31 =	simm.s32 $0x2800;
	[sflag:s23] =	ssyncadd.s32 $0xFFFFC000  }
0x51: {  	[spmem:s2] =	stream.indirect.scatter.add.f32 [tilespmem:s22], [sflag:$0x2], $0x80, s31, s21, $0xb8;
	[tilespmem:$0x1F800] =	vst v63  }
0x52: {  	_ =	swait.ge [sflag:s19], $0x4000  }
0x53: {  	s26 =	simm.s32 $0x200;
	s28 =	simm.s32 $0x400;
	[sflag:s19] =	ssyncset.done $0x0  }
.LBB2_4:
0x54: {  	s29 =	sshra.s32 s26, $0x2  }
0x55: {  	[sflag:s19] =	ssyncadd.s32 $0xFFFFC000;
	s26 =	smov.u32 s28;
	s30 =	sadd.s32 $0x200, s28  }
0x56: {  	[tilespmem:s22], [sflag:$0x1] =	stream.indirect.gather [hbm4b:s4+s21], $0x80, s29, s21, $0xb8;
	[tilespmem:$0x1F800] =	vst v63  }
0x57: {  	p1 =	sne.s32 s28, $0x9C00;
	_ =	swait.ge [sflag:s23], $0x4000  }
.Ltmp1:
0x58: {  	[sflag:s23] =	ssyncset.done $0x0;
	(pc) =	sbr.rel @p1 .LBB2_4-.Ltmp1, $4  }
0x59: {  	s28 =	sadd.s32 $0x2800, s29;
	[sflag:s23] =	ssyncadd.s32 $0xFFFFC000  }
0x5a: {  	[spmem:s2] =	stream.indirect.scatter.add.f32 [tilespmem:s22], [sflag:$0x2], $0x80, s28, s21, $0xb8;
	[tilespmem:$0x1F800] =	vst v63  }
0x5b: {  	_ =	swait.ge [sflag:s19], $0x4000  }
0x5c: {  	s28 =	smov.u32 s30;
	[sflag:s19] =	ssyncset.done $0x0  }
0x5d: {  	s26 =	sshra.s32 s26, $0x2;
	[sflag:s19] =	ssyncadd.s32 $0xFFFFC000  }
0x5e: {  	[tilespmem:s22], [sflag:$0x1] =	stream.indirect.gather [hbm4b:s4+s21], $0x80, s26, s21, $0xb8;
	[tilespmem:$0x1F800] =	vst v63  }
0x5f: {  	_ =	swait.ge [sflag:s23], $0x4000  }
0x60: {  	[sflag:s23] =	ssyncset.done $0x0  }
0x61: {  	s26 =	sadd.s32 $0x2800, s26;
	[sflag:s23] =	ssyncadd.s32 $0xFFFFC000  }
0x62: {  	[spmem:s2] =	stream.indirect.scatter.add.f32 [tilespmem:s22], [sflag:$0x2], $0x80, s26, s21, $0xb8;
	[tilespmem:$0x1F800] =	vst v63  }
0x63: {  	_ =	swait.ge [sflag:s19], $0x4000  }
0x64: {  	[sflag:s19] =	ssyncset.done $0x0  }
0x65: {  	s31 =	sshll.u32 s1, $0x6;
	[sflag:s19] =	ssyncadd.s32 $0xFFFFC000  }
0x66: {  	s26 =	sor.u32 $0x1C02, s31;
	[bflag:$0x0] =	sbarrier.arrive $0xFFFF  }
0x67: {  	[hbm:s7], [sflag:s26] =	dma.local [spmem:s24], $0x2700  }
0x68: {  	_ =	swait.ge [sflag:s19], $0x2700  }
0x69: {  	s3 =	sadd.s32 $0x1, s3;
	[sflag:s19] =	ssyncset.done $0x0  }
0x6a: {  	p1 =	sne.s32 s3, s10;
	[sflag:s19] =	ssyncadd.s32 $0xFFFFD900  }
0x6b: {  	[hbm:s8], [sflag:s26] =	dma.local @!p0 [spmem:s25], $0x100  }
.Ltmp2:
0x6c: {  	_ = 	snop;
	(pc) =	sbr.rel @p1 .LBB2_1-.Ltmp2, $4  }
0x6d: {  	s26 =	simm.s32 @!p0 $0x2  }
0x6e: {  	_ =	swait.ge @!p0 [sflag:s26], $0x100  }
0x6f: {  	[sflag:s26] =	ssyncset.done @!p0 $0x0  }
0x70: {  	[sflag:s26] =	ssyncadd.s32 @!p0 $0xFFFFFF00  }
0x71: {  	_ =	sfence.sel $0x180000  }
0x72: {  	[bflag:$0x0] =	sbarrier.arrive $0xFFFF  }
0x73: {  	p0 =	sne.s32 s1, $0x0;
	_ =	strace $0x9000004A  }
0x74: {  	s0 =	sadd.s32 @!p0 $0x100000, s0;
	[bflag:$0x2] =	sbarrier.arrive $0xFFFF  }
0x75: {  	[sflag:s0] =	ssyncadd.tile.s32 @!p0 $0x1;
	_ =	shalt  }
.Lfunc_end2:
_tile_overlayer_lowered:
.L_overlay_start_2:
0x76: {  	(tag) =	ssettag $0x2  }
0x77: {  	s0 =	rddreg [dreg:$0x0];
	s2 =	stileid.u32  }
0x78: {  	s1 =	rddreg [dreg:$0x1];
	p0 =	sne.s32 s2, $0x0  }
0x79: {  	s3 =	rddreg [dreg:$0x2];
	[bflag:$0x3] =	sbarrier.arrive $0xFFFF;
	s2 =	simm.s32 @!p0 $0x1C02  }
0x7a: {  	[timem:s3], [sflag:s2] =	dma.local @!p0 [hbm:s0], s1  }
0x7b: {  	s0 =	simm.s32 @!p0 $0x2  }
0x7c: {  	_ =	swait.ge @!p0 [sflag:s0], s1  }
0x7d: {  	s1 =	ssub.s32 @!p0 $0x0, s1;
	[sflag:s0] =	ssyncset.done @!p0 $0x0  }
0x7e: {  	[sflag:s0] =	ssyncadd.s32 @!p0 s1  }
0x7f: {  	[bflag:$0x3] =	sbarrier.arrive $0xFFFF  }
0x80: {  	_ =	shalt  }

// kernel: kernel.15.cloned.1.call-start
scs
__scs_entry_jumppad:
0x0: {  	(pc) =	sbr.rel $0x88, $3  }
0x1: {  	(tag) =	ssettag $0x0;
	lr =	simm.s32 $0x1  }
0x2: {  	[smem:$0x3F92] =	sst lr;
	_ =	strace $0xD0000000  }
0x3: {  	_ = 	snop  }
0x4: {  	_ = 	snop  }
0x5: {  	_ = 	snop  }
0x6: {  	_ = 	snop  }
0x7: {  	_ = 	snop  }
__scs_overlays_trampoline_lowered:
0x8: {  	[smem:$0x3FA1] =	sst s0  }
0x9: {  	[smem:$0x3FA2] =	sst s1  }
0xa: {  	[smem:$0x3FA3] =	sst s2  }
0xb: {  	[smem:$0x3FA4] =	sst s3  }
0xc: {  	[smem:$0x3FA5] =	sst s4  }
0xd: {  	[smem:$0x3FA6] =	sst s5  }
0xe: {  	[smem:$0x3FA7] =	sst s6  }
0xf: {  	[smem:$0x3FA8] =	sst s7  }
0x10: {  	[smem:$0x3FA9] =	sst s8  }
0x11: {  	[smem:$0x3FAA] =	sst s9;
	s0 =	simm.s32 @!p0 $0x0  }
0x12: {  	s1 =	sld [smem:$0x3F90];
	s0 =	simm.s32 @p0 $0x1  }
0x13: {  	[smem:$0x3FAB] =	sst s0;
	s0 =	simm.s32 @!p1 $0x0  }
0x14: {  	s2 =	sld [smem:$0x3F8F];
	s0 =	simm.s32 @p1 $0x1  }
0x15: {  	[smem:$0x3FAC] =	sst s0;
	s0 =	simm.s32 @!p2 $0x0  }
0x16: {  	s3 =	sld [smem:$0x3FDB];
	s0 =	simm.s32 @p2 $0x1  }
0x17: {  	s4 =	simm.s32 $0x1BF5;
	[smem:$0x3FAE] =	sst s0  }
0x18: {  	s0 =	sld [smem:$0x3F91];
	_ =	swait.ge [sflag:s4], $0x0  }
0x19: {  	s7 =	sld [smem:$0x3F92]  }
0x1a: {  	s8 =	sadd.s32 $0xFFFFE003, lr  }
0x1b: {  	s9 =	sadd.s32 $0xFFFFFEF7, lr;
	s5 =	simm.s32 $0xFFFFFFFF;
	p2 =	slt.u32 s8, $0xFFFFF086  }
0x1c: {  	p1 =	slt.u32 s9, $0xF7A;
	s5 =	simm.s32 @!p2 $0x0  }
0x1d: {  	s5 =	simm.s32 @p1 $0x1;
	p0 =	seq.s32 s7, s2  }
0x1e: {  	s7 =	smul.u32 @!p0 $0xF7A, s2;
	p2 =	seq.s32 @!p0 s5, $0x0  }
0x1f: {  	s9 =	smul.u32 $0xF7A, s1;
	s8 =	simm.s32 @!p0 $0x1BF5;
	p2 =	por !p2, p0  }
0x20: {  	[sflag:s8] =	ssyncset.s32 @!p0 $0xFFFFF086;
	s6 =	sadd.s32 @!p0 s3, s7;
	s7 =	simm.s32 @!p0 $0x108  }
0x21: {  	s3 =	sadd.s32 s3, s9;
	s6 =	sadd.s32 @!p0 $0x88, s6;
	s7 =	simm.s32 @p2 $0x1082  }
0x22: {  	[simem:s7], [sflag:s8] =	dma.local @!p0 [hbm:s6], $0xF7A  }
0x23: {  	s9 =	sor.u32 $0xD0000000, s2;
	s6 =	simm.s32 $0x108;
	_ =	swait.ge @!p0 [sflag:s8], $0x0  }
0x24: {  	s3 =	sadd.s32 $0x88, s3;
	s6 =	simm.s32 @!p1 $0x1082;
	[sflag:s4] =	ssyncset.s32 $0xFFFFF086  }
0x25: {  	[simem:s6], [sflag:s4] =	dma.local [hbm:s3], $0xF7A  }
0x26: {  	[smem:$0x3F92] =	sst s1;
	(tag) =	ssettag s2;
	_ =	strace s9  }
0x27: {  	s1 =	sld [smem:$0x3FA2]  }
0x28: {  	s2 =	sld [smem:$0x3FA3]  }
0x29: {  	s4 =	sld [smem:$0x3FA5]  }
0x2a: {  	p0 =	seq.s32 s5, $0x0;
	s5 =	sld [smem:$0x3FA6]  }
0x2b: {  	s6 =	sld [smem:$0x3FA7]  }
0x2c: {  	s7 =	sld [smem:$0x3FA8]  }
0x2d: {  	s3 =	simm.s32 $0x108;
	s8 =	sld [smem:$0x3FA9]  }
0x2e: {  	s3 =	simm.s32 @!p0 $0x1082;
	s9 =	sld [smem:$0x3FAA]  }
0x2f: {  	lr =	sadd.s32 s0, s3;
	s0 =	sld [smem:$0x3FA1]  }
0x30: {  	s3 =	sld [smem:$0x3FA4]  }
0x31: {  	[smem:$0x3FAD] =	sst s10  }
0x32: {  	s10 =	sld [smem:$0x3FAB];
	_ =	sdelay $0x3  }
0x33: {  	p0 =	seq.s32 s10, $0x1;
	s10 =	sld [smem:$0x3FAD];
	_ =	sdelay $0x3  }
0x34: {  	[smem:$0x3FAD] =	sst s10  }
0x35: {  	s10 =	sld [smem:$0x3FAC];
	_ =	sdelay $0x3  }
0x36: {  	p1 =	seq.s32 s10, $0x1;
	s10 =	sld [smem:$0x3FAD];
	_ =	sdelay $0x3  }
0x37: {  	[smem:$0x3FAD] =	sst s10  }
0x38: {  	s10 =	sld [smem:$0x3FAE]  }
0x39: {  	_ = 	snop;
	(pc) =	sbr.ind lr, $3  }
0x3a: {  	_ = 	snop  }
0x3b: {  	_ = 	snop  }
0x3c: {  	p2 =	seq.s32 s10, $0x1;
	s10 =	sld [smem:$0x3FAD]  }
0x3d: {  	_ =	shalt  }
0x3e: {  	_ =	shalt  }
0x3f: {  	_ =	shalt  }
0x40: {  	_ =	shalt  }
0x41: {  	_ =	shalt  }
0x42: {  	_ =	shalt  }
0x43: {  	_ =	shalt  }
0x44: {  	_ =	shalt  }
0x45: {  	_ =	shalt  }
0x46: {  	_ =	shalt  }
0x47: {  	_ =	shalt  }
0x48: {  	_ =	shalt  }
0x49: {  	_ =	shalt  }
0x4a: {  	_ =	shalt  }
0x4b: {  	_ =	shalt  }
0x4c: {  	_ =	shalt  }
0x4d: {  	_ =	shalt  }
0x4e: {  	_ =	shalt  }
0x4f: {  	_ =	shalt  }
0x50: {  	_ =	shalt  }
0x51: {  	_ =	shalt  }
0x52: {  	_ =	shalt  }
0x53: {  	_ =	shalt  }
0x54: {  	_ =	shalt  }
0x55: {  	_ =	shalt  }
0x56: {  	_ =	shalt  }
0x57: {  	_ =	shalt  }
0x58: {  	_ =	shalt  }
0x59: {  	_ =	shalt  }
0x5a: {  	_ =	shalt  }
0x5b: {  	_ =	shalt  }
0x5c: {  	_ =	shalt  }
0x5d: {  	_ =	shalt  }
0x5e: {  	_ =	shalt  }
0x5f: {  	_ =	shalt  }
0x60: {  	_ =	shalt  }
0x61: {  	_ =	shalt  }
0x62: {  	_ =	shalt  }
0x63: {  	_ =	shalt  }
0x64: {  	_ =	shalt  }
0x65: {  	_ =	shalt  }
0x66: {  	_ =	shalt  }
0x67: {  	_ =	shalt  }
0x68: {  	_ =	shalt  }
0x69: {  	_ =	shalt  }
0x6a: {  	_ =	shalt  }
0x6b: {  	_ =	shalt  }
0x6c: {  	_ =	shalt  }
0x6d: {  	_ =	shalt  }
0x6e: {  	_ =	shalt  }
0x6f: {  	_ =	shalt  }
0x70: {  	_ =	shalt  }
0x71: {  	_ =	shalt  }
0x72: {  	_ =	shalt  }
0x73: {  	_ =	shalt  }
0x74: {  	_ =	shalt  }
0x75: {  	_ =	shalt  }
0x76: {  	_ =	shalt  }
0x77: {  	_ =	shalt  }
0x78: {  	_ =	shalt  }
0x79: {  	_ =	shalt  }
0x7a: {  	_ =	shalt  }
0x7b: {  	_ =	shalt  }
0x7c: {  	_ =	shalt  }
0x7d: {  	_ =	shalt  }
0x7e: {  	_ =	shalt  }
0x7f: {  	_ =	shalt  }
0x80: {  	_ =	shalt  }
0x81: {  	_ =	shalt  }
0x82: {  	_ =	shalt  }
0x83: {  	_ =	shalt  }
0x84: {  	_ =	shalt  }
0x85: {  	_ =	shalt  }
0x86: {  	_ =	shalt  }
0x87: {  	_ =	shalt  }
.Lfunc_end0:
.L_simem_size_0:
called_computation.2_lowered:
.L_overlay_start_0:
0x88: {  	s2 =	sld [smem:$0x3FD9]  }
0x89: {  	s3 =	sld [smem:$0x3FFE];
	_ =	sdelay $0x1  }
0x8a: {  	s1 =	srdreg.scid  }
0x8b: {  	s0 =	sand.u32 $0x1, s1  }
0x8c: {  	s16 =	sshll.u32 s0, $0xA;
	s2 =	sadd.s32 s3, s2  }
0x8d: {  	s2 =	sadd.s32 s2, s16  }
0x8e: {  	[smem:$0x3FB9] =	sst s2  }
0x8f: {  	_ = 	snop  }
0x90: {  	(tm) =	ssettm $0x1  }
0x91: {  	s17 =	sld [smem:$0x3FFB];
	_ =	sdelay $0x3  }
0x92: {  	_ =	strace s17  }
0x93: {  	s2 =	sld [smem:$0x3FFC];
	_ =	sdelay $0x3  }
0x94: {  	_ =	strace s2  }
0x95: {  	s2 =	sld [smem:$0x3FFD];
	_ =	sdelay $0x3  }
0x96: {  	_ =	strace s2  }
0x97: {  	_ =	strace $0x8FFFFFFF  }
0x98: {  	s18 =	sld [smem:$0x3FDB];
	_ =	sdelay $0x1  }
0x99: {  	s19 =	simm.s32 $_scs_section_size  }
0x9a: {  	s4 =	simm.s32 $_size__tile_overlayer_lowered;
	s5 =	simm.s32 $_tile_overlayer_lowered  }
0x9b: {  	s22 =	simm.s32 $0x1BFF;
	s21 =	sshll.u32 s5, $0x1;
	s2 =	sadd.s32 s19, s18  }
0x9c: {  	s6 =	simm.s32 $0x0;
	s20 =	sshll.u32 s4, $0x1;
	s4 =	sadd.s32 s21, s2  }
0x9d: {  	[timem:s6], [sflag:s22] =	dma.local [hbm:s4], s20  }
0x9e: {  	_ =	swait.ge [sflag:s22], s20  }
0x9f: {  	s3 =	ssub.s32 $0x0, s20;
	[sflag:s22] =	ssyncset.done $0x0  }
0xa0: {  	[sflag:s22] =	ssyncadd.s32 s3;
	_ =	sdelay $0x1  }
0xa1: {  	s23 =	simm.s32 $0x1B8B  }
0xa2: {  	_ =	swait.ge [sflag:s23], $0x1  }
0xa3: {  	[sflag:s23] =	ssyncset.done $0x0  }
0xa4: {  	s25 =	simm.s32 $0x1B8E;
	s24 =	sld [smem:$0x3FFE];
	[sflag:s23] =	ssyncadd.s32 $0xFFFFFFFF  }
0xa5: {  	s26 =	simm.s32 $execute0_lowered;
	[smem:$0x3FD2] =	sst s25  }
0xa6: {  	s4 =	sshll.u32 s26, $0x1;
	_ =	strace $0x8000004C;
	[dreg:$0x1] =	wrdreg $0xFFFFFFFF  }
0xa7: {  	s28 =	simm.s32 $_size_execute0_lowered;
	s2 =	sadd.s32 s2, s4;
	[dreg:$0x0] =	wrdreg $0x0  }
0xa8: {  	s4 =	sshll.u32 s28, $0x1;
	[dreg:$0x2] =	wrdreg s2  }
0xa9: {  	[dreg:$0x3] =	wrdreg s4  }
0xaa: {  	[dreg:$0x4] =	wrdreg $0xC0  }
0xab: {  	_ =	task [dreg:s6], $0x5FFFF  }
0xac: {  	[dreg:$0x1] =	wrdreg $0xFFFFFFFF  }
0xad: {  	[dreg:$0x0] =	wrdreg $0x60  }
0xae: {  	[dreg:$0x2] =	wrdreg s24  }
0xaf: {  	[dreg:$0x3] =	wrdreg $0xB8000  }
0xb0: {  	[dreg:$0x4] =	wrdreg $0x9  }
0xb1: {  	_ =	task.clear_ibuf [dreg:s6], $0x5FFFF;
	_ =	strace $0x9000004C  }
0xb2: {  	s29 =	simm.s32 $0x9;
	_ =	strace $0x8000004E  }
0xb3: {  	_ =	swait.ge [sflag:s29], $0x1  }
0xb4: {  	[sflag:s29] =	ssyncadd.s32 $0xFFFFFFFF  }
0xb5: {  	_ =	strace $0x9000004E  }
0xb6: {  	_ =	sfence  }
0xb7: {  	s30 =	sld [smem:$0x0];
	_ =	sdelay $0x2  }
0xb8: {  	s31 =	sshll.u32 s1, $0xD;
	s1 =	sshrl.u32 s1, $0x2  }
0xb9: {  	s3 =	sand.u32 $0x4000, s31;
	s1 =	sadd.s32 s1, s30  }
0xba: {  	s0 =	sor.u32 s3, s0;
	s1 =	sshll.u32 s1, $0x11  }
0xbb: {  	s0 =	sor.u32 s1, s0  }
0xbc: {  	s0 =	sadd.s32 $0x8F2B, s0  }
0xbd: {  	[sflag:s0] =	ssyncadd.remote.s32 $0x1  }
0xbe: {  	_ =	sfence.sel $0xFFFF  }
0xbf: {  	[dreg:$0x0] =	wrdreg $0xFFFFFFFF;
	(pc) =	sbr.abs _section_cstart, $3  }
0xc0: {  	[dreg:$0x1] =	wrdreg $0xFFFFFFFF  }
0xc1: {  	_ =	task.clear_ibuf [dreg:s6], $0x2FFFF;
	_ =	strace $0x9FFFFFFF  }
0xc2: {  	(tm) =	ssettm $0x7FFFFFFF  }
0xc3: {  	_ =	shalt  }
tec
execute0_lowered:
.L_overlay_start_1:
0x0: {  	(tag) =	ssettag $0x1  }
0x1: {  	s0 =	srdreg.scid;
	s5 =	rddreg [dreg:$0x0]  }
0x2: {  	s2 =	rddreg [dreg:$0x1];
	s1 =	stileid.u32  }
0x3: {  	s3 =	simm.s32 $0x0;
	s18 =	simm.s32 $0x9000;
	s19 =	simm.s32 $0x2  }
0x4: {  	s20 =	simm.s32 $0x2800;
	s21 =	simm.s32 $0x80;
	s22 =	simm.s32 $0x5000  }
0x5: {  	s4 =	sand.u32 $0x1, s0;
	s0 =	rddreg [dreg:$0x2];
	s9 =	smul.u32 $0x13800, s1  }
0x6: {  	s23 =	simm.s32 $0x1;
	[smem:$0x7FF] =	sst s3;
	s30 =	smul.u32 $0x4E000, s1  }
0x7: {  	s10 =	sadd.s32 $0x3EC00, s5;
	s12 =	smul.u32 $0x50000, s1;
	s25 =	sadd.s32 $0x138000, s2  }
0x8: {  	p0 =	sne.s32 s1, $0xF;
	s6 =	sshll.u32 s4, $0x4;
	_ =	strace $0x8000004D  }
0x9: {  	s8 =	smul.u32 $0x138800, s4;
	s7 =	ssub.s32 $0x2, s4;
	s4 =	sadd.s32 $0x17A00, s5  }
0xa: {  	s25 =	sshrl.u32 @!p0 s25, $0x3;
	s6 =	sor.u32 s1, s6;
	s28 =	sshrl.u32 s7, $0x1  }
0xb: {  	s31 =	sshrl.u32 s12, $0x2;
	s6 =	smul.u32 $0x500, s6;
	s11 =	ssub.s32 s7, s28  }
0xc: {  	s29 =	sadd.s32 s9, s8;
	s8 =	sshrl.u32 s8, $0x3;
	s9 =	sshrl.u32 s30, $0x2  }
0xd: {  	s7 =	sshrl.u32 s29, $0x3;
	s8 =	sadd.s32 s10, s8;
	s24 =	sadd.s32 s9, s2  }
0xe: {  	s9 =	sadd.s32 s31, s2;
	s6 =	sadd.s32 s6, s5;
	s7 =	sadd.s32 s10, s7  }
0xf: {  	s8 =	sadd.s32 $0x27000, s8;
	s10 =	smax.u32 s11, $0x1;
	s11 =	sadd.s32 $0x2800, s9  }
0x10: {  	s12 =	sadd.s32 $0x5000, s9;
	s13 =	sadd.s32 $0x7800, s9;
	s14 =	sadd.s32 $0xA000, s9  }
0x11: {  	s15 =	sadd.s32 $0xC800, s9;
	s16 =	sadd.s32 $0xF000, s9;
	s17 =	sadd.s32 $0x11800, s9  }
0x12: {  	v0 =	vimm.f32 $0.0e+00;
	s24 =	sshrl.u32 s24, $0x3;
	s5 =	sadd.s32 $0xDA00, s6;
	s6 =	sadd.s32 $0x3000, s6  }
.LBB2_1:
0x13: {  	s26 =	simm.s32 $0x0;
	s28 =	simm.s32 $0x200  }
.LBB2_2:
0x14: {  	p1 =	sne.s32 s28, $0x9E00;
	[tilespmem:s26+$0x9070] =	vst v0  }
0x15: {  	[tilespmem:s26+$0x9000] =	vst v0  }
0x16: {  	[tilespmem:s26+$0x9010] =	vst v0  }
.Ltmp0:
0x17: {  	[tilespmem:s26+$0x9020] =	vst v0;
	(pc) =	sbr.rel @p1 .LBB2_2-.Ltmp0, $4  }
0x18: {  	[tilespmem:s26+$0x9030] =	vst v0  }
0x19: {  	[tilespmem:s26+$0x9040] =	vst v0  }
0x1a: {  	[tilespmem:s26+$0x9050] =	vst v0  }
0x1b: {  	[tilespmem:s26+$0x9060] =	vst v0;
	s26 =	sshra.s32 s28, $0x2;
	s28 =	sadd.s32 $0x200, s28  }
0x1c: {  	[tilespmem:s26+$0x9070] =	vst v0  }
0x1d: {  	[tilespmem:s26+$0x9000] =	vst v0  }
0x1e: {  	[tilespmem:s26+$0x9010] =	vst v0  }
0x1f: {  	[tilespmem:s26+$0x9020] =	vst v0  }
0x20: {  	[tilespmem:s26+$0x9030] =	vst v0  }
0x21: {  	[tilespmem:s26+$0x9040] =	vst v0  }
0x22: {  	[tilespmem:s26+$0x9050] =	vst v0  }
0x23: {  	[tilespmem:s26+$0x9060] =	vst v0  }
0x24: {  	[spmem:s9] =	stream.linear.scatter [tilespmem:s18], [sflag:$0x2], $0x2800, $0x38;
	[tilespmem:$0x1F800] =	vst v63  }
0x25: {  	_ =	swait.ge [sflag:s19], $0x2800  }
0x26: {  	[sflag:s19] =	ssyncset.done $0x0  }
0x27: {  	[sflag:s19] =	ssyncadd.s32 $0xFFFFD800  }
0x28: {  	[spmem:s11] =	stream.linear.scatter [tilespmem:s18], [sflag:$0x2], $0x2800, $0x38;
	[tilespmem:$0x1F800] =	vst v63  }
0x29: {  	_ =	swait.ge [sflag:s19], $0x2800  }
0x2a: {  	[sflag:s19] =	ssyncset.done $0x0  }
0x2b: {  	[sflag:s19] =	ssyncadd.s32 $0xFFFFD800  }
0x2c: {  	[spmem:s12] =	stream.linear.scatter [tilespmem:s18], [sflag:$0x2], $0x2800, $0x38;
	[tilespmem:$0x1F800] =	vst v63  }
0x2d: {  	_ =	swait.ge [sflag:s19], $0x2800  }
0x2e: {  	[sflag:s19] =	ssyncset.done $0x0  }
0x2f: {  	[sflag:s19] =	ssyncadd.s32 $0xFFFFD800  }
0x30: {  	[spmem:s13] =	stream.linear.scatter [tilespmem:s18], [sflag:$0x2], $0x2800, $0x38;
	[tilespmem:$0x1F800] =	vst v63  }
0x31: {  	_ =	swait.ge [sflag:s19], $0x2800  }
0x32: {  	[sflag:s19] =	ssyncset.done $0x0  }
0x33: {  	[sflag:s19] =	ssyncadd.s32 $0xFFFFD800  }
0x34: {  	[spmem:s14] =	stream.linear.scatter [tilespmem:s18], [sflag:$0x2], $0x2800, $0x38;
	[tilespmem:$0x1F800] =	vst v63  }
0x35: {  	_ =	swait.ge [sflag:s19], $0x2800  }
0x36: {  	[sflag:s19] =	ssyncset.done $0x0  }
0x37: {  	[sflag:s19] =	ssyncadd.s32 $0xFFFFD800  }
0x38: {  	[spmem:s15] =	stream.linear.scatter [tilespmem:s18], [sflag:$0x2], $0x2800, $0x38;
	[tilespmem:$0x1F800] =	vst v63  }
0x39: {  	_ =	swait.ge [sflag:s19], $0x2800  }
0x3a: {  	[sflag:s19] =	ssyncset.done $0x0  }
0x3b: {  	[sflag:s19] =	ssyncadd.s32 $0xFFFFD800  }
0x3c: {  	[spmem:s16] =	stream.linear.scatter [tilespmem:s18], [sflag:$0x2], $0x2800, $0x38;
	[tilespmem:$0x1F800] =	vst v63  }
0x3d: {  	_ =	swait.ge [sflag:s19], $0x2800  }
0x3e: {  	[sflag:s19] =	ssyncset.done $0x0  }
0x3f: {  	[sflag:s19] =	ssyncadd.s32 $0xFFFFD800  }
0x40: {  	[spmem:s17] =	stream.linear.scatter [tilespmem:s18], [sflag:$0x2], $0x2800, $0x38;
	[tilespmem:$0x1F800] =	vst v63  }
0x41: {  	_ =	swait.ge [sflag:s19], $0x2800  }
0x42: {  	[sflag:s19] =	ssyncset.done $0x0  }
0x43: {  	s29 =	simm.s32 $0x0;
	[sflag:s19] =	ssyncadd.s32 $0xFFFFD800  }
0x44: {  	[tilespmem:s29], [sflag:$0x2] =	stream.linear.gather [hbm4b:s5+s29], $0x2780, $0x38;
	[tilespmem:$0x1F800] =	vst v63  }
0x45: {  	_ =	swait.ge [sflag:s19], $0x2780  }
0x46: {  	[sflag:s19] =	ssyncset.done $0x0  }
0x47: {  	[sflag:s19] =	ssyncadd.s32 $0xFFFFD880  }
0x48: {  	[tilespmem:s20], [sflag:$0x2] =	stream.linear.gather [hbm4b:s6+s29], $0x2780, $0x38;
	[tilespmem:$0x1F800] =	vst v63  }
0x49: {  	_ =	swait.ge [sflag:s19], $0x2780  }
0x4a: {  	[sflag:s19] =	ssyncset.done $0x0  }
0x4b: {  	[sflag:s19] =	ssyncadd.s32 $0xFFFFD880  }
0x4c: {  	s30 =	simm.s32 $0x0;
	[bflag:$0x0] =	sbarrier.arrive $0xFFFF  }
0x4d: {  	[tilespmem:s22], [sflag:$0x1] =	stream.indirect.gather [hbm4b:s4+s21], $0x80, s30, s21, $0xb8;
	[tilespmem:$0x1F800] =	vst v63  }
0x4e: {  	_ =	swait.ge [sflag:s23], $0x4000  }
0x4f: {  	[sflag:s23] =	ssyncset.done $0x0  }
0x50: {  	s31 =	simm.s32 $0x2800;
	[sflag:s23] =	ssyncadd.s32 $0xFFFFC000  }
0x51: {  	[spmem:s2] =	stream.indirect.scatter.add.f32 [tilespmem:s22], [sflag:$0x2], $0x80, s31, s21, $0xb8;
	[tilespmem:$0x1F800] =	vst v63  }
0x52: {  	_ =	swait.ge [sflag:s19], $0x4000  }
0x53: {  	s26 =	simm.s32 $0x200;
	s28 =	simm.s32 $0x400;
	[sflag:s19] =	ssyncset.done $0x0  }
.LBB2_4:
0x54: {  	s29 =	sshra.s32 s26, $0x2  }
0x55: {  	[sflag:s19] =	ssyncadd.s32 $0xFFFFC000;
	s26 =	smov.u32 s28;
	s30 =	sadd.s32 $0x200, s28  }
0x56: {  	[tilespmem:s22], [sflag:$0x1] =	stream.indirect.gather [hbm4b:s4+s21], $0x80, s29, s21, $0xb8;
	[tilespmem:$0x1F800] =	vst v63  }
0x57: {  	p1 =	sne.s32 s28, $0x9C00;
	_ =	swait.ge [sflag:s23], $0x4000  }
.Ltmp1:
0x58: {  	[sflag:s23] =	ssyncset.done $0x0;
	(pc) =	sbr.rel @p1 .LBB2_4-.Ltmp1, $4  }
0x59: {  	s28 =	sadd.s32 $0x2800, s29;
	[sflag:s23] =	ssyncadd.s32 $0xFFFFC000  }
0x5a: {  	[spmem:s2] =	stream.indirect.scatter.add.f32 [tilespmem:s22], [sflag:$0x2], $0x80, s28, s21, $0xb8;
	[tilespmem:$0x1F800] =	vst v63  }
0x5b: {  	_ =	swait.ge [sflag:s19], $0x4000  }
0x5c: {  	s28 =	smov.u32 s30;
	[sflag:s19] =	ssyncset.done $0x0  }
0x5d: {  	s26 =	sshra.s32 s26, $0x2;
	[sflag:s19] =	ssyncadd.s32 $0xFFFFC000  }
0x5e: {  	[tilespmem:s22], [sflag:$0x1] =	stream.indirect.gather [hbm4b:s4+s21], $0x80, s26, s21, $0xb8;
	[tilespmem:$0x1F800] =	vst v63  }
0x5f: {  	_ =	swait.ge [sflag:s23], $0x4000  }
0x60: {  	[sflag:s23] =	ssyncset.done $0x0  }
0x61: {  	s26 =	sadd.s32 $0x2800, s26;
	[sflag:s23] =	ssyncadd.s32 $0xFFFFC000  }
0x62: {  	[spmem:s2] =	stream.indirect.scatter.add.f32 [tilespmem:s22], [sflag:$0x2], $0x80, s26, s21, $0xb8;
	[tilespmem:$0x1F800] =	vst v63  }
0x63: {  	_ =	swait.ge [sflag:s19], $0x4000  }
0x64: {  	[sflag:s19] =	ssyncset.done $0x0  }
0x65: {  	s31 =	sshll.u32 s1, $0x6;
	[sflag:s19] =	ssyncadd.s32 $0xFFFFC000  }
0x66: {  	s26 =	sor.u32 $0x1C02, s31;
	[bflag:$0x0] =	sbarrier.arrive $0xFFFF  }
0x67: {  	[hbm:s7], [sflag:s26] =	dma.local [spmem:s24], $0x2700  }
0x68: {  	_ =	swait.ge [sflag:s19], $0x2700  }
0x69: {  	s3 =	sadd.s32 $0x1, s3;
	[sflag:s19] =	ssyncset.done $0x0  }
0x6a: {  	p1 =	sne.s32 s3, s10;
	[sflag:s19] =	ssyncadd.s32 $0xFFFFD900  }
0x6b: {  	[hbm:s8], [sflag:s26] =	dma.local @!p0 [spmem:s25], $0x100  }
.Ltmp2:
0x6c: {  	_ = 	snop;
	(pc) =	sbr.rel @p1 .LBB2_1-.Ltmp2, $4  }
0x6d: {  	s26 =	simm.s32 @!p0 $0x2  }
0x6e: {  	_ =	swait.ge @!p0 [sflag:s26], $0x100  }
0x6f: {  	[sflag:s26] =	ssyncset.done @!p0 $0x0  }
0x70: {  	[sflag:s26] =	ssyncadd.s32 @!p0 $0xFFFFFF00  }
0x71: {  	_ =	sfence.sel $0x180000  }
0x72: {  	[bflag:$0x0] =	sbarrier.arrive $0xFFFF  }
0x73: {  	p0 =	sne.s32 s1, $0x0;
	_ =	strace $0x9000004D  }
0x74: {  	s0 =	sadd.s32 @!p0 $0x100000, s0;
	[bflag:$0x2] =	sbarrier.arrive $0xFFFF  }
0x75: {  	[sflag:s0] =	ssyncadd.tile.s32 @!p0 $0x1;
	_ =	shalt  }
.Lfunc_end2:
_tile_overlayer_lowered:
.L_overlay_start_2:
0x76: {  	(tag) =	ssettag $0x2  }
0x77: {  	s0 =	rddreg [dreg:$0x0];
	s2 =	stileid.u32  }
0x78: {  	s1 =	rddreg [dreg:$0x1];
	p0 =	sne.s32 s2, $0x0  }
0x79: {  	s3 =	rddreg [dreg:$0x2];
	[bflag:$0x3] =	sbarrier.arrive $0xFFFF;
	s2 =	simm.s32 @!p0 $0x1C02  }
0x7a: {  	[timem:s3], [sflag:s2] =	dma.local @!p0 [hbm:s0], s1  }
0x7b: {  	s0 =	simm.s32 @!p0 $0x2  }
0x7c: {  	_ =	swait.ge @!p0 [sflag:s0], s1  }
0x7d: {  	s1 =	ssub.s32 @!p0 $0x0, s1;
	[sflag:s0] =	ssyncset.done @!p0 $0x0  }
0x7e: {  	[sflag:s0] =	ssyncadd.s32 @!p0 s1  }
0x7f: {  	[bflag:$0x3] =	sbarrier.arrive $0xFFFF  }
0x80: {  	_ =	shalt  }

// kernel: kernel.9.cloned.1.call-start
scs
__scs_entry_jumppad:
0x0: {  	(pc) =	sbr.rel $0x88, $3  }
0x1: {  	(tag) =	ssettag $0x0;
	lr =	simm.s32 $0x1  }
0x2: {  	[smem:$0x3F92] =	sst lr;
	_ =	strace $0xD0000000  }
0x3: {  	_ = 	snop  }
0x4: {  	_ = 	snop  }
0x5: {  	_ = 	snop  }
0x6: {  	_ = 	snop  }
0x7: {  	_ = 	snop  }
__scs_overlays_trampoline_lowered:
0x8: {  	[smem:$0x3FA1] =	sst s0  }
0x9: {  	[smem:$0x3FA2] =	sst s1  }
0xa: {  	[smem:$0x3FA3] =	sst s2  }
0xb: {  	[smem:$0x3FA4] =	sst s3  }
0xc: {  	[smem:$0x3FA5] =	sst s4  }
0xd: {  	[smem:$0x3FA6] =	sst s5  }
0xe: {  	[smem:$0x3FA7] =	sst s6  }
0xf: {  	[smem:$0x3FA8] =	sst s7  }
0x10: {  	[smem:$0x3FA9] =	sst s8  }
0x11: {  	[smem:$0x3FAA] =	sst s9;
	s0 =	simm.s32 @!p0 $0x0  }
0x12: {  	s1 =	sld [smem:$0x3F90];
	s0 =	simm.s32 @p0 $0x1  }
0x13: {  	[smem:$0x3FAB] =	sst s0;
	s0 =	simm.s32 @!p1 $0x0  }
0x14: {  	s2 =	sld [smem:$0x3F8F];
	s0 =	simm.s32 @p1 $0x1  }
0x15: {  	[smem:$0x3FAC] =	sst s0;
	s0 =	simm.s32 @!p2 $0x0  }
0x16: {  	s3 =	sld [smem:$0x3FDB];
	s0 =	simm.s32 @p2 $0x1  }
0x17: {  	s4 =	simm.s32 $0x1BF5;
	[smem:$0x3FAE] =	sst s0  }
0x18: {  	s0 =	sld [smem:$0x3F91];
	_ =	swait.ge [sflag:s4], $0x0  }
0x19: {  	s7 =	sld [smem:$0x3F92]  }
0x1a: {  	s8 =	sadd.s32 $0xFFFFE003, lr  }
0x1b: {  	s9 =	sadd.s32 $0xFFFFFEF7, lr;
	s5 =	simm.s32 $0xFFFFFFFF;
	p2 =	slt.u32 s8, $0xFFFFF086  }
0x1c: {  	p1 =	slt.u32 s9, $0xF7A;
	s5 =	simm.s32 @!p2 $0x0  }
0x1d: {  	s5 =	simm.s32 @p1 $0x1;
	p0 =	seq.s32 s7, s2  }
0x1e: {  	s7 =	smul.u32 @!p0 $0xF7A, s2;
	p2 =	seq.s32 @!p0 s5, $0x0  }
0x1f: {  	s9 =	smul.u32 $0xF7A, s1;
	s8 =	simm.s32 @!p0 $0x1BF5;
	p2 =	por !p2, p0  }
0x20: {  	[sflag:s8] =	ssyncset.s32 @!p0 $0xFFFFF086;
	s6 =	sadd.s32 @!p0 s3, s7;
	s7 =	simm.s32 @!p0 $0x108  }
0x21: {  	s3 =	sadd.s32 s3, s9;
	s6 =	sadd.s32 @!p0 $0x88, s6;
	s7 =	simm.s32 @p2 $0x1082  }
0x22: {  	[simem:s7], [sflag:s8] =	dma.local @!p0 [hbm:s6], $0xF7A  }
0x23: {  	s9 =	sor.u32 $0xD0000000, s2;
	s6 =	simm.s32 $0x108;
	_ =	swait.ge @!p0 [sflag:s8], $0x0  }
0x24: {  	s3 =	sadd.s32 $0x88, s3;
	s6 =	simm.s32 @!p1 $0x1082;
	[sflag:s4] =	ssyncset.s32 $0xFFFFF086  }
0x25: {  	[simem:s6], [sflag:s4] =	dma.local [hbm:s3], $0xF7A  }
0x26: {  	[smem:$0x3F92] =	sst s1;
	(tag) =	ssettag s2;
	_ =	strace s9  }
0x27: {  	s1 =	sld [smem:$0x3FA2]  }
0x28: {  	s2 =	sld [smem:$0x3FA3]  }
0x29: {  	s4 =	sld [smem:$0x3FA5]  }
0x2a: {  	p0 =	seq.s32 s5, $0x0;
	s5 =	sld [smem:$0x3FA6]  }
0x2b: {  	s6 =	sld [smem:$0x3FA7]  }
0x2c: {  	s7 =	sld [smem:$0x3FA8]  }
0x2d: {  	s3 =	simm.s32 $0x108;
	s8 =	sld [smem:$0x3FA9]  }
0x2e: {  	s3 =	simm.s32 @!p0 $0x1082;
	s9 =	sld [smem:$0x3FAA]  }
0x2f: {  	lr =	sadd.s32 s0, s3;
	s0 =	sld [smem:$0x3FA1]  }
0x30: {  	s3 =	sld [smem:$0x3FA4]  }
0x31: {  	[smem:$0x3FAD] =	sst s10  }
0x32: {  	s10 =	sld [smem:$0x3FAB];
	_ =	sdelay $0x3  }
0x33: {  	p0 =	seq.s32 s10, $0x1;
	s10 =	sld [smem:$0x3FAD];
	_ =	sdelay $0x3  }
0x34: {  	[smem:$0x3FAD] =	sst s10  }
0x35: {  	s10 =	sld [smem:$0x3FAC];
	_ =	sdelay $0x3  }
0x36: {  	p1 =	seq.s32 s10, $0x1;
	s10 =	sld [smem:$0x3FAD];
	_ =	sdelay $0x3  }
0x37: {  	[smem:$0x3FAD] =	sst s10  }
0x38: {  	s10 =	sld [smem:$0x3FAE]  }
0x39: {  	_ = 	snop;
	(pc) =	sbr.ind lr, $3  }
0x3a: {  	_ = 	snop  }
0x3b: {  	_ = 	snop  }
0x3c: {  	p2 =	seq.s32 s10, $0x1;
	s10 =	sld [smem:$0x3FAD]  }
0x3d: {  	_ =	shalt  }
0x3e: {  	_ =	shalt  }
0x3f: {  	_ =	shalt  }
0x40: {  	_ =	shalt  }
0x41: {  	_ =	shalt  }
0x42: {  	_ =	shalt  }
0x43: {  	_ =	shalt  }
0x44: {  	_ =	shalt  }
0x45: {  	_ =	shalt  }
0x46: {  	_ =	shalt  }
0x47: {  	_ =	shalt  }
0x48: {  	_ =	shalt  }
0x49: {  	_ =	shalt  }
0x4a: {  	_ =	shalt  }
0x4b: {  	_ =	shalt  }
0x4c: {  	_ =	shalt  }
0x4d: {  	_ =	shalt  }
0x4e: {  	_ =	shalt  }
0x4f: {  	_ =	shalt  }
0x50: {  	_ =	shalt  }
0x51: {  	_ =	shalt  }
0x52: {  	_ =	shalt  }
0x53: {  	_ =	shalt  }
0x54: {  	_ =	shalt  }
0x55: {  	_ =	shalt  }
0x56: {  	_ =	shalt  }
0x57: {  	_ =	shalt  }
0x58: {  	_ =	shalt  }
0x59: {  	_ =	shalt  }
0x5a: {  	_ =	shalt  }
0x5b: {  	_ =	shalt  }
0x5c: {  	_ =	shalt  }
0x5d: {  	_ =	shalt  }
0x5e: {  	_ =	shalt  }
0x5f: {  	_ =	shalt  }
0x60: {  	_ =	shalt  }
0x61: {  	_ =	shalt  }
0x62: {  	_ =	shalt  }
0x63: {  	_ =	shalt  }
0x64: {  	_ =	shalt  }
0x65: {  	_ =	shalt  }
0x66: {  	_ =	shalt  }
0x67: {  	_ =	shalt  }
0x68: {  	_ =	shalt  }
0x69: {  	_ =	shalt  }
0x6a: {  	_ =	shalt  }
0x6b: {  	_ =	shalt  }
0x6c: {  	_ =	shalt  }
0x6d: {  	_ =	shalt  }
0x6e: {  	_ =	shalt  }
0x6f: {  	_ =	shalt  }
0x70: {  	_ =	shalt  }
0x71: {  	_ =	shalt  }
0x72: {  	_ =	shalt  }
0x73: {  	_ =	shalt  }
0x74: {  	_ =	shalt  }
0x75: {  	_ =	shalt  }
0x76: {  	_ =	shalt  }
0x77: {  	_ =	shalt  }
0x78: {  	_ =	shalt  }
0x79: {  	_ =	shalt  }
0x7a: {  	_ =	shalt  }
0x7b: {  	_ =	shalt  }
0x7c: {  	_ =	shalt  }
0x7d: {  	_ =	shalt  }
0x7e: {  	_ =	shalt  }
0x7f: {  	_ =	shalt  }
0x80: {  	_ =	shalt  }
0x81: {  	_ =	shalt  }
0x82: {  	_ =	shalt  }
0x83: {  	_ =	shalt  }
0x84: {  	_ =	shalt  }
0x85: {  	_ =	shalt  }
0x86: {  	_ =	shalt  }
0x87: {  	_ =	shalt  }
.Lfunc_end0:
.L_simem_size_0:
called_computation_lowered:
.L_overlay_start_0:
0x88: {  	s2 =	sld [smem:$0x3FD9]  }
0x89: {  	s3 =	sld [smem:$0x3FFE];
	_ =	sdelay $0x1  }
0x8a: {  	s1 =	srdreg.scid  }
0x8b: {  	s0 =	sand.u32 $0x1, s1  }
0x8c: {  	s16 =	sshll.u32 s0, $0xA;
	s2 =	sadd.s32 s3, s2  }
0x8d: {  	s2 =	sadd.s32 s2, s16  }
0x8e: {  	[smem:$0x3FB9] =	sst s2  }
0x8f: {  	_ = 	snop  }
0x90: {  	(tm) =	ssettm $0x1  }
0x91: {  	s17 =	sld [smem:$0x3FFB];
	_ =	sdelay $0x3  }
0x92: {  	_ =	strace s17  }
0x93: {  	s2 =	sld [smem:$0x3FFC];
	_ =	sdelay $0x3  }
0x94: {  	_ =	strace s2  }
0x95: {  	s2 =	sld [smem:$0x3FFD];
	_ =	sdelay $0x3  }
0x96: {  	_ =	strace s2  }
0x97: {  	_ =	strace $0x8FFFFFFF  }
0x98: {  	s18 =	sld [smem:$0x3FDB];
	_ =	sdelay $0x1  }
0x99: {  	s19 =	simm.s32 $_scs_section_size  }
0x9a: {  	s4 =	simm.s32 $_size__tile_overlayer_lowered;
	s5 =	simm.s32 $_tile_overlayer_lowered  }
0x9b: {  	s22 =	simm.s32 $0x1BFF;
	s21 =	sshll.u32 s5, $0x1;
	s2 =	sadd.s32 s19, s18  }
0x9c: {  	s6 =	simm.s32 $0x0;
	s20 =	sshll.u32 s4, $0x1;
	s4 =	sadd.s32 s21, s2  }
0x9d: {  	[timem:s6], [sflag:s22] =	dma.local [hbm:s4], s20  }
0x9e: {  	_ =	swait.ge [sflag:s22], s20  }
0x9f: {  	s3 =	ssub.s32 $0x0, s20;
	[sflag:s22] =	ssyncset.done $0x0  }
0xa0: {  	[sflag:s22] =	ssyncadd.s32 s3;
	_ =	sdelay $0x1  }
0xa1: {  	s23 =	simm.s32 $0x1B8B  }
0xa2: {  	_ =	swait.ge [sflag:s23], $0x1  }
0xa3: {  	[sflag:s23] =	ssyncset.done $0x0  }
0xa4: {  	s25 =	simm.s32 $0x1B8E;
	s24 =	sld [smem:$0x3FFE];
	[sflag:s23] =	ssyncadd.s32 $0xFFFFFFFF  }
0xa5: {  	s26 =	simm.s32 $execute0_lowered;
	[smem:$0x3FD2] =	sst s25  }
0xa6: {  	s4 =	sshll.u32 s26, $0x1;
	_ =	strace $0x80000046;
	[dreg:$0x1] =	wrdreg $0xFFFFFFFF  }
0xa7: {  	s28 =	simm.s32 $_size_execute0_lowered;
	s2 =	sadd.s32 s2, s4;
	[dreg:$0x0] =	wrdreg $0x0  }
0xa8: {  	s4 =	sshll.u32 s28, $0x1;
	[dreg:$0x2] =	wrdreg s2  }
0xa9: {  	[dreg:$0x3] =	wrdreg s4  }
0xaa: {  	[dreg:$0x4] =	wrdreg $0xC0  }
0xab: {  	_ =	task [dreg:s6], $0x5FFFF  }
0xac: {  	[dreg:$0x1] =	wrdreg $0xFFFFFFFF  }
0xad: {  	[dreg:$0x0] =	wrdreg $0x60  }
0xae: {  	[dreg:$0x2] =	wrdreg s24  }
0xaf: {  	[dreg:$0x3] =	wrdreg $0x2B000  }
0xb0: {  	[dreg:$0x4] =	wrdreg $0x9  }
0xb1: {  	_ =	task.clear_ibuf [dreg:s6], $0x5FFFF;
	_ =	strace $0x90000046  }
0xb2: {  	s29 =	simm.s32 $0x9;
	_ =	strace $0x80000048  }
0xb3: {  	_ =	swait.ge [sflag:s29], $0x1  }
0xb4: {  	[sflag:s29] =	ssyncadd.s32 $0xFFFFFFFF  }
0xb5: {  	_ =	strace $0x90000048  }
0xb6: {  	_ =	sfence  }
0xb7: {  	s30 =	sld [smem:$0x0];
	_ =	sdelay $0x2  }
0xb8: {  	s31 =	sshll.u32 s1, $0xD;
	s1 =	sshrl.u32 s1, $0x2  }
0xb9: {  	s3 =	sand.u32 $0x4000, s31;
	s1 =	sadd.s32 s1, s30  }
0xba: {  	s0 =	sor.u32 s3, s0;
	s1 =	sshll.u32 s1, $0x11  }
0xbb: {  	s0 =	sor.u32 s1, s0  }
0xbc: {  	s0 =	sadd.s32 $0x8F2B, s0  }
0xbd: {  	[sflag:s0] =	ssyncadd.remote.s32 $0x1  }
0xbe: {  	_ =	sfence.sel $0xFFFF  }
0xbf: {  	[dreg:$0x0] =	wrdreg $0xFFFFFFFF;
	(pc) =	sbr.abs _section_cstart, $3  }
0xc0: {  	[dreg:$0x1] =	wrdreg $0xFFFFFFFF  }
0xc1: {  	_ =	task.clear_ibuf [dreg:s6], $0x2FFFF;
	_ =	strace $0x9FFFFFFF  }
0xc2: {  	(tm) =	ssettm $0x7FFFFFFF  }
0xc3: {  	_ =	shalt  }
tec
execute0_lowered:
.L_overlay_start_1:
0x0: {  	(tag) =	ssettag $0x1  }
0x1: {  	s4 =	rddreg [dreg:$0x0];
	s0 =	srdreg.scid  }
0x2: {  	s2 =	rddreg [dreg:$0x1];
	s1 =	stileid.u32  }
0x3: {  	s3 =	simm.s32 $0x0;
	s10 =	simm.s32 $0x80;
	s11 =	simm.s32 $0x2800  }
0x4: {  	s14 =	simm.s32 $0x20;
	s15 =	simm.s32 $0x10;
	s16 =	simm.s32 $0x0  }
0x5: {  	s5 =	sand.u32 $0x1, s0;
	s0 =	rddreg [dreg:$0x2];
	s7 =	smul.u32 $0x500, s1  }
0x6: {  	[smem:$0x7FF] =	sst s3;
	s30 =	smul.u32 $0xA00, s1;
	s12 =	sshll.u32 s1, $0x6  }
0x7: {  	s6 =	sshll.u32 s5, $0x4;
	s8 =	sshll.u32 s5, $0x7;
	_ =	strace $0x80000047  }
0x8: {  	s5 =	ssub.s32 $0x2, s5;
	s12 =	sor.u32 $0x1C01, s12;
	s6 =	sor.u32 s1, s6  }
0x9: {  	s7 =	sor.u32 s8, s7;
	s31 =	sshrl.u32 s5, $0x1;
	s6 =	smul.u32 $0x500, s6  }
0xa: {  	s8 =	sshrl.u32 s30, $0x2;
	s7 =	sshrl.u32 s7, $0x3;
	s9 =	ssub.s32 s5, s31  }
0xb: {  	s7 =	sadd.s32 s7, s4;
	s6 =	sadd.s32 s6, s4;
	s4 =	sadd.s32 s8, s2  }
0xc: {  	s8 =	simm.s32 $0x2880;
	s5 =	sadd.s32 $0x3000, s6;
	s6 =	sadd.s32 $0xD000, s7  }
0xd: {  	v0 =	vimm.f32 $1.000000000e+00;
	v1 =	vimm.f32 $0.0e+00;
	s7 =	smax.u32 s9, $0x1;
	s9 =	simm.s32 $0x1;
	s13 =	sshrl.u32 s4, $0x3  }
.LBB2_1:
0xe: {  	[tilespmem:$0x2800] =	vst v0  }
0xf: {  	[tilespmem:$0x2810] =	vst v0  }
0x10: {  	[tilespmem:$0x2820] =	vst v0  }
0x11: {  	[tilespmem:$0x2830] =	vst v0  }
0x12: {  	[tilespmem:$0x2840] =	vst v0  }
0x13: {  	[tilespmem:$0x2850] =	vst v0  }
0x14: {  	[tilespmem:$0x2860] =	vst v0  }
0x15: {  	[tilespmem:$0x2870] =	vst v0  }
0x16: {  	[tilespmem:$0x2880] =	vst v1  }
0x17: {  	[tilespmem:$0x2890] =	vst v1  }
0x18: {  	[tilespmem:$0x28A0] =	vst v1  }
0x19: {  	[tilespmem:$0x28B0] =	vst v1  }
0x1a: {  	[tilespmem:$0x28C0] =	vst v1  }
0x1b: {  	[tilespmem:$0x28D0] =	vst v1  }
0x1c: {  	[tilespmem:$0x28E0] =	vst v1  }
0x1d: {  	[tilespmem:$0x28F0] =	vst v1  }
0x1e: {  	[tilespmem:$0x2900] =	vst v1  }
0x1f: {  	[tilespmem:$0x2910] =	vst v1  }
0x20: {  	[tilespmem:$0x2920] =	vst v1  }
0x21: {  	[tilespmem:$0x2930] =	vst v1  }
0x22: {  	[tilespmem:$0x2940] =	vst v1  }
0x23: {  	[tilespmem:$0x2950] =	vst v1  }
0x24: {  	[tilespmem:$0x2960] =	vst v1  }
0x25: {  	[tilespmem:$0x2970] =	vst v1  }
0x26: {  	[tilespmem:$0x2980] =	vst v1  }
0x27: {  	[tilespmem:$0x2990] =	vst v1  }
0x28: {  	[tilespmem:$0x29A0] =	vst v1  }
0x29: {  	[tilespmem:$0x29B0] =	vst v1  }
0x2a: {  	[tilespmem:$0x29C0] =	vst v1  }
0x2b: {  	[tilespmem:$0x29D0] =	vst v1  }
0x2c: {  	[tilespmem:$0x29E0] =	vst v1  }
0x2d: {  	[tilespmem:$0x29F0] =	vst v1  }
0x2e: {  	[tilespmem:$0x2A00] =	vst v1  }
0x2f: {  	[tilespmem:$0x2A10] =	vst v1  }
0x30: {  	[tilespmem:$0x2A20] =	vst v1  }
0x31: {  	[tilespmem:$0x2A30] =	vst v1  }
0x32: {  	[tilespmem:$0x2A40] =	vst v1  }
0x33: {  	[tilespmem:$0x2A50] =	vst v1  }
0x34: {  	[tilespmem:$0x2A60] =	vst v1  }
0x35: {  	[tilespmem:$0x2A70] =	vst v1  }
0x36: {  	[tilespmem:$0x2A80] =	vst v1  }
0x37: {  	[tilespmem:$0x2A90] =	vst v1  }
0x38: {  	[tilespmem:$0x2AA0] =	vst v1  }
0x39: {  	[tilespmem:$0x2AB0] =	vst v1  }
0x3a: {  	[tilespmem:$0x2AC0] =	vst v1  }
0x3b: {  	[tilespmem:$0x2AD0] =	vst v1  }
0x3c: {  	[tilespmem:$0x2AE0] =	vst v1  }
0x3d: {  	[tilespmem:$0x2AF0] =	vst v1  }
0x3e: {  	[spmem:s4] =	stream.linear.scatter [tilespmem:s8], [sflag:$0x1], $0x280, $0x38;
	[tilespmem:$0x2D80] =	vst v63  }
0x3f: {  	_ =	swait.ge [sflag:s9], $0x280  }
0x40: {  	[sflag:s9] =	ssyncset.done $0x0  }
0x41: {  	[sflag:s9] =	ssyncadd.s32 $0xFFFFFD80  }
0x42: {  	[tilespmem:s3], [sflag:$0x1] =	stream.linear.gather [hbm4b:s5+s3], $0x2780, $0x38;
	[tilespmem:$0x2D80] =	vst v63  }
0x43: {  	_ =	swait.ge [sflag:s9], $0x2780  }
0x44: {  	[sflag:s9] =	ssyncset.done $0x0  }
0x45: {  	[sflag:s9] =	ssyncadd.s32 $0xFFFFD880  }
0x46: {  	s17 =	simm.s32 $0x0;
	[bflag:$0x0] =	sbarrier.arrive $0xFFFF  }
0x47: {  	[spmem:s2] =	stream.indirect.scatter.add.f32 [tilespmem:s11], [sflag:$0x1], $0x1, s17, s10, $0xb8;
	[tilespmem:$0x2D80] =	vst v63  }
0x48: {  	_ =	swait.ge [sflag:s9], $0x80  }
0x49: {  	s17 =	simm.s32 $0x200;
	[sflag:s9] =	ssyncset.done $0x0  }
.LBB2_2:
0x4a: {  	s18 =	sshra.s32 s17, $0x2;
	[sflag:s9] =	ssyncadd.s32 $0xFFFFFF80;
	p0 =	sne.s32 s17, $0x9C00  }
0x4b: {  	[spmem:s2] =	stream.indirect.scatter.add.f32 [tilespmem:s11], [sflag:$0x1], $0x1, s18, s10, $0xb8;
	[tilespmem:$0x2D80] =	vst v63  }
.Ltmp0:
0x4c: {  	_ = 	snop;
	(pc) =	sbr.rel @p0 .LBB2_2-.Ltmp0, $4  }
0x4d: {  	_ = 	snop  }
0x4e: {  	s17 =	sadd.s32 $0x200, s17  }
0x4f: {  	_ =	swait.ge [sflag:s9], $0x80  }
0x50: {  	[sflag:s9] =	ssyncset.done $0x0  }
0x51: {  	s16 =	sadd.s32 $0x1, s16  }
0x52: {  	[sflag:s9] =	ssyncadd.s32 $0xFFFFFF80;
	p0 =	sne.s32 s16, s7  }
.Ltmp1:
0x53: {  	[bflag:$0x0] =	sbarrier.arrive $0xFFFF;
	(pc) =	sbr.rel @p0 .LBB2_1-.Ltmp1, $4  }
0x54: {  	[hbm:s6@s14], [sflag:s12] =	dma.strided [spmem:s13@s15], $0x50, s9, $0x10   }
0x55: {  	_ =	swait.ge [sflag:s9], $0x50  }
0x56: {  	[sflag:s9] =	ssyncset.done $0x0  }
0x57: {  	[sflag:s9] =	ssyncadd.s32 $0xFFFFFFB0  }
0x58: {  	_ =	sfence.sel $0x180000  }
0x59: {  	[bflag:$0x0] =	sbarrier.arrive $0xFFFF  }
0x5a: {  	p0 =	sne.s32 s1, $0x0;
	_ =	strace $0x90000047  }
0x5b: {  	s0 =	sadd.s32 @!p0 $0x100000, s0;
	[bflag:$0x2] =	sbarrier.arrive $0xFFFF  }
0x5c: {  	[sflag:s0] =	ssyncadd.tile.s32 @!p0 $0x1;
	_ =	shalt  }
.Lfunc_end2:
_tile_overlayer_lowered:
.L_overlay_start_2:
0x5d: {  	(tag) =	ssettag $0x2  }
0x5e: {  	s0 =	rddreg [dreg:$0x0];
	s2 =	stileid.u32  }
0x5f: {  	s1 =	rddreg [dreg:$0x1];
	p0 =	sne.s32 s2, $0x0  }
0x60: {  	s3 =	rddreg [dreg:$0x2];
	[bflag:$0x3] =	sbarrier.arrive $0xFFFF;
	s2 =	simm.s32 @!p0 $0x1C01  }
0x61: {  	[timem:s3], [sflag:s2] =	dma.local @!p0 [hbm:s0], s1  }
0x62: {  	s0 =	simm.s32 @!p0 $0x1  }
0x63: {  	_ =	swait.ge @!p0 [sflag:s0], s1  }
0x64: {  	s1 =	ssub.s32 @!p0 $0x0, s1;
	[sflag:s0] =	ssyncset.done @!p0 $0x0  }
0x65: {  	[sflag:s0] =	ssyncadd.s32 @!p0 s1  }
0x66: {  	[bflag:$0x3] =	sbarrier.arrive $0xFFFF  }
0x67: {  	_ =	shalt  }

</sc_bundles>
